<compile_context>
chip_gen: v7x
topology: tpu7x:2x2x1
jax: 0.10.2.dev20260603
libtpu: 0.0.44.dev20260713+nightly
codegen_flags: <defaults>
</compile_context>

<pallas_src>
import functools

import jax
import jax.numpy as jnp
from jax import lax
from jax.experimental import pallas as pl
from jax.experimental.pallas import tpu as pltpu
from jax.experimental.pallas import tpu_sc as plsc

_NC = 2
_NS = 16
_NW = _NC * _NS

_TB = 128


def _sc_gather(table, idx):
    B = idx.shape[0]
    D = table.shape[1]
    b_per_w = B // _NW
    chunk = b_per_w
    while chunk * D * 4 > 256 * 1024:
        chunk //= 2
    n_chunks = b_per_w // chunk
    mesh = plsc.VectorSubcoreMesh(core_axis_name="c", subcore_axis_name="s")

    @functools.partial(
        pl.kernel,
        mesh=mesh,
        out_type=jax.ShapeDtypeStruct((B, D), table.dtype),
        scratch_types=[
            pltpu.VMEM((b_per_w,), jnp.int32),
            pltpu.VMEM((chunk, D), table.dtype),
            pltpu.SemaphoreType.DMA,
        ],
    )
    def k(table_hbm, idx_hbm, out_hbm, idx_v, rows_v, sem):
        wid = lax.axis_index("s") * _NC + lax.axis_index("c")
        base = wid * b_per_w
        pltpu.sync_copy(idx_hbm.at[pl.ds(base, b_per_w)], idx_v)
        for c in range(n_chunks):
            pltpu.async_copy(
                table_hbm.at[idx_v.at[pl.ds(c * chunk, chunk)]], rows_v, sem
            ).wait()
            pltpu.sync_copy(rows_v, out_hbm.at[pl.ds(base + c * chunk, chunk)])

    return k(table, idx)


def _ffn_body(off_ref, x_ref, fc1_ref, fc2_ref, z_ref):
    e = pl.program_id(0)
    n_tok = x_ref.shape[0]
    d_ff = fc2_ref.shape[2]
    start = off_ref[e]
    end = off_ref[e + 1]
    a = (start // 8) * 8
    n = lax.div(end - a + _TB - 1, _TB)

    def tile(i, carry):
        s = jnp.minimum(a + i * _TB, n_tok - _TB)
        xb = x_ref[pl.ds(s, _TB), :]
        y = lax.dot_general(
            xb, fc1_ref[0], (((1,), (1,)), ((), ())),
            preferred_element_type=jnp.float32,
        )
        u = y[:, :d_ff]
        g = y[:, d_ff:]
        h = u * (g * jax.nn.sigmoid(g))
        zb = lax.dot_general(
            h, fc2_ref[0], (((1,), (1,)), ((), ())),
            preferred_element_type=jnp.float32,
        )
        rows = s + lax.broadcasted_iota(jnp.int32, (_TB, 1), 0)
        m = (rows >= start) & (rows < end)
        cur = z_ref[pl.ds(s, _TB), :]
        z_ref[pl.ds(s, _TB), :] = jnp.where(m, zb, cur)
        return carry

    lax.fori_loop(0, jnp.maximum(n, 0), tile, 0)


def _grouped_ffn(x_sorted, fc1_weight, fc2_weight, offsets):
    n_tok, d_model = x_sorted.shape
    E, two_dff, _ = fc1_weight.shape
    d_ff = two_dff // 2
    grid_spec = pltpu.PrefetchScalarGridSpec(
        num_scalar_prefetch=1,
        grid=(E,),
        in_specs=[
            pl.BlockSpec((n_tok, d_model), lambda e, off: (0, 0)),
            pl.BlockSpec((1, two_dff, d_model), lambda e, off: (e, 0, 0)),
            pl.BlockSpec((1, d_model, d_ff), lambda e, off: (e, 0, 0)),
        ],
        out_specs=pl.BlockSpec((n_tok, d_model), lambda e, off: (0, 0)),
    )
    return pl.pallas_call(
        _ffn_body,
        grid_spec=grid_spec,
        out_shape=jax.ShapeDtypeStruct((n_tok, d_model), jnp.float32),
        compiler_params=pltpu.CompilerParams(
            dimension_semantics=("arbitrary",),
            vmem_limit_bytes=100 * 1024 * 1024,
        ),
    )(offsets, x_sorted, fc1_weight, fc2_weight)


def kernel(x, fc1_weight, fc2_weight, indices, counts):
    n_tok_slots = indices.shape[0] * indices.shape[1]
    top_k = indices.shape[-1]
    flat = indices.reshape(-1)
    slots = jnp.arange(n_tok_slots, dtype=jnp.int32)
    keys = jnp.sort(flat.astype(jnp.int32) * n_tok_slots + slots)
    order = keys % n_tok_slots
    src = (order // top_k).astype(jnp.int32)
    p = jnp.zeros((n_tok_slots,), jnp.int32).at[order].set(slots)
    offsets = jnp.concatenate(
        [jnp.zeros((1,), jnp.int32), jnp.cumsum(counts).astype(jnp.int32)]
    )
    x_sorted = _sc_gather(x, src)
    z = _grouped_ffn(x_sorted, fc1_weight, fc2_weight, offsets)
    return _sc_gather(z, p)

# --- scband reference (transcript-rebuilt; emitter-appended) ---
"""Pipeline reference for scband-expert-ffnfor-loop-78099685310877 (READ-ONLY COPY).

The authoritative reference and input builder live on the scoring server;
editing this copy changes nothing except your own understanding.
"""

import jax, jax.numpy as jnp
import numpy as np

def _silu(t):
    return t * jax.nn.sigmoid(t)

def setup_inputs(seed: int = 0):
    key = jax.random.key(seed)
    k1, k2, k3, k4 = jax.random.split(key, 4)
    n_tok, d_model, d_ff, E, top_k = 2048, 1024, 1024, 64, 2
    x = jax.random.normal(k1, (n_tok, d_model), jnp.float32)
    fc1_weight = jax.random.normal(k2, (E, 2 * d_ff, d_model), jnp.float32) * (d_model ** -0.5)
    fc2_weight = jax.random.normal(k3, (E, d_model, d_ff), jnp.float32) * (d_ff ** -0.5)
    indices = jax.random.randint(k4, (n_tok, top_k), 0, E)
    counts = jnp.bincount(indices.reshape(-1), length=E).astype(jnp.int32)
    return {"x": x, "fc1_weight": fc1_weight, "fc2_weight": fc2_weight, "indices": indices, "counts": counts}

def reference(x, fc1_weight, fc2_weight, indices, counts):
    top_k = indices.shape[-1]
    flat = indices.reshape(-1)
    order = jnp.argsort(flat)
    x_by_expert = x[order // top_k]
    E = fc1_weight.shape[0]
    exp_idxs_per_tok = jnp.repeat(jnp.arange(E), counts, total_repeat_length=flat.shape[0])
    z = jnp.zeros_like(x_by_expert)
    for e in range(E):
        mask = exp_idxs_per_tok == e
        y = x_by_expert @ fc1_weight[e].T
        y, gate = jnp.split(y, 2, axis=-1)
        y = y * _silu(gate)
        y = y @ fc2_weight[e].T
        z = jnp.where(mask[:, None], y, z)
    out = jnp.zeros_like(z).at[order].set(z)
    return out

if __name__ == "__main__":
    import jax
    _d = setup_inputs()
    print(jax.jit(kernel)(*tuple(_d.values())))

</pallas_src>

<mosaic_0001>
#map = affine_map<(d0, d1) -> (0, 0)>
#map1 = affine_map<(d0, d1) -> (0)>
module attributes {stable_mosaic.version = 14 : i64} {
  func.func @k(%arg0: i32, %arg1: i32, %arg2: memref<2048x1024xf32, #tpu.memory_space<hbm>>, %arg3: memref<4096xi32, #tpu.memory_space<hbm>>, %arg4: memref<4096x1024xf32, #tpu.memory_space<hbm>>, %arg5: memref<128xi32, #tpu.memory_space<vmem>>, %arg6: memref<64x1024xf32, #tpu.memory_space<vmem>>, %arg7: memref<!tpu.dma_semaphore, #tpu.memory_space<semaphore_mem>>) attributes {dimension_semantics = [#tpu.dimension_semantics<core_parallel>, #tpu.dimension_semantics<subcore_parallel>], iteration_bounds = array<i64: 2, 16>, scalar_prefetch = 0 : i64, scratch_operands = 3 : i64, tpu.core_type = #tpu.core_type<sc_vector_subcore>, window_params = [{transform_indices = #map}, {transform_indices = #map1}, {transform_indices = #map}]} {
    %mul3A = arith.constant 2 : i32
    %mul3A_0 = arith.muli %arg1, %mul3A : i32
    %add3A = arith.addi %mul3A_0, %arg0 : i32
    %mul3A_1 = arith.constant 128 : i32
    %mul3A_2 = arith.muli %add3A, %mul3A_1 : i32
    "tpu.region"() ({
      %run_scoped3A = tpu.sem_alloc : memref<!tpu.dma_semaphore, #tpu.memory_space<semaphore_mem>>
      %dma_start3A_25 = tpu.memref_slice %arg3[%mul3A_2] : memref<4096xi32, #tpu.memory_space<hbm>> -> memref<128xi32, #tpu.memory_space<hbm>>
      %dma_start3A_26 = tpu.memref_slice %arg3[%mul3A_2] : memref<4096xi32, #tpu.memory_space<hbm>> -> memref<128xi32, #tpu.memory_space<hbm>>
      tpu.enqueue_dma source(%dma_start3A_26 : memref<128xi32, #tpu.memory_space<hbm>>) target(%arg5 : memref<128xi32, #tpu.memory_space<vmem>>) target_semaphore(%run_scoped3A : memref<!tpu.dma_semaphore, #tpu.memory_space<semaphore_mem>>)
      %dma_wait3A_27 = tpu.memref_slice %arg3[%mul3A_2] : memref<4096xi32, #tpu.memory_space<hbm>> -> memref<128xi32, #tpu.memory_space<hbm>>
      %dma_wait3A_28 = tpu.memref_slice %arg3[%mul3A_2] : memref<4096xi32, #tpu.memory_space<hbm>> -> memref<128xi32, #tpu.memory_space<hbm>>
      tpu.wait_dma2 semaphore(%run_scoped3A : memref<!tpu.dma_semaphore, #tpu.memory_space<semaphore_mem>>) src(%dma_wait3A_28 : memref<128xi32, #tpu.memory_space<hbm>>) dst(%arg5 : memref<128xi32, #tpu.memory_space<vmem>>)
      tpu.yield
    }) : () -> ()
    %dma_start3A = arith.constant 0 : i32
    %dma_start3A_3 = tpu.memref_slice %arg5[%dma_start3A] : memref<128xi32, #tpu.memory_space<vmem>> -> memref<64xi32, #tpu.memory_space<vmem>>
    %dma_start3A_4 = arith.constant 0 : i32
    %dma_start3A_5 = arith.constant 0 : i32
    %dma_start3A_6 = tpu.memref_slice %arg2[%dma_start3A_4, %dma_start3A_5] : memref<2048x1024xf32, #tpu.memory_space<hbm>> -> memref<2048x1024xf32, #tpu.memory_space<hbm>>
    tpu.enqueue_indirect_dma source(%dma_start3A_6 : memref<2048x1024xf32, #tpu.memory_space<hbm>>) target(%arg6 : memref<64x1024xf32, #tpu.memory_space<vmem>>) offsets(%dma_start3A_3 : memref<64xi32, #tpu.memory_space<vmem>>) semaphore(%arg7 : memref<!tpu.dma_semaphore, #tpu.memory_space<semaphore_mem>>)
    %dma_wait3A = arith.constant 0 : i32
    %dma_wait3A_7 = tpu.memref_slice %arg5[%dma_wait3A] : memref<128xi32, #tpu.memory_space<vmem>> -> memref<64xi32, #tpu.memory_space<vmem>>
    %dma_wait3A_8 = arith.constant 0 : i32
    %dma_wait3A_9 = arith.constant 0 : i32
    %dma_wait3A_10 = tpu.memref_slice %arg2[%dma_wait3A_8, %dma_wait3A_9] : memref<2048x1024xf32, #tpu.memory_space<hbm>> -> memref<2048x1024xf32, #tpu.memory_space<hbm>>
    tpu.wait_indirect_dma semaphore(%arg7 : memref<!tpu.dma_semaphore, #tpu.memory_space<semaphore_mem>>) src(%dma_wait3A_10 : memref<2048x1024xf32, #tpu.memory_space<hbm>>) dst(%arg6 : memref<64x1024xf32, #tpu.memory_space<vmem>>)
    %add3A_11 = arith.constant 0 : i32
    %add3A_12 = arith.addi %mul3A_2, %add3A_11 : i32
    "tpu.region"() ({
      %run_scoped3A = tpu.sem_alloc : memref<!tpu.dma_semaphore, #tpu.memory_space<semaphore_mem>>
      %dma_start3A_25 = arith.constant 0 : i32
      %dma_start3A_26 = tpu.memref_slice %arg4[%add3A_12, %dma_start3A_25] : memref<4096x1024xf32, #tpu.memory_space<hbm>> -> memref<64x1024xf32, #tpu.memory_space<hbm>>
      %dma_start3A_27 = arith.constant 0 : i32
      %dma_start3A_28 = tpu.memref_slice %arg4[%add3A_12, %dma_start3A_27] : memref<4096x1024xf32, #tpu.memory_space<hbm>> -> memref<64x1024xf32, #tpu.memory_space<hbm>>
      tpu.enqueue_dma source(%arg6 : memref<64x1024xf32, #tpu.memory_space<vmem>>) target(%dma_start3A_28 : memref<64x1024xf32, #tpu.memory_space<hbm>>) target_semaphore(%run_scoped3A : memref<!tpu.dma_semaphore, #tpu.memory_space<semaphore_mem>>)
      %dma_wait3A_29 = arith.constant 0 : i32
      %dma_wait3A_30 = tpu.memref_slice %arg4[%add3A_12, %dma_wait3A_29] : memref<4096x1024xf32, #tpu.memory_space<hbm>> -> memref<64x1024xf32, #tpu.memory_space<hbm>>
      %dma_wait3A_31 = arith.constant 0 : i32
      %dma_wait3A_32 = tpu.memref_slice %arg4[%add3A_12, %dma_wait3A_31] : memref<4096x1024xf32, #tpu.memory_space<hbm>> -> memref<64x1024xf32, #tpu.memory_space<hbm>>
      tpu.wait_dma2 semaphore(%run_scoped3A : memref<!tpu.dma_semaphore, #tpu.memory_space<semaphore_mem>>) src(%arg6 : memref<64x1024xf32, #tpu.memory_space<vmem>>) dst(%dma_wait3A_32 : memref<64x1024xf32, #tpu.memory_space<hbm>>)
      tpu.yield
    }) : () -> ()
    %dma_start3A_13 = arith.constant 64 : i32
    %dma_start3A_14 = tpu.memref_slice %arg5[%dma_start3A_13] : memref<128xi32, #tpu.memory_space<vmem>> -> memref<64xi32, #tpu.memory_space<vmem>>
    %dma_start3A_15 = arith.constant 0 : i32
    %dma_start3A_16 = arith.constant 0 : i32
    %dma_start3A_17 = tpu.memref_slice %arg2[%dma_start3A_15, %dma_start3A_16] : memref<2048x1024xf32, #tpu.memory_space<hbm>> -> memref<2048x1024xf32, #tpu.memory_space<hbm>>
    tpu.enqueue_indirect_dma source(%dma_start3A_17 : memref<2048x1024xf32, #tpu.memory_space<hbm>>) target(%arg6 : memref<64x1024xf32, #tpu.memory_space<vmem>>) offsets(%dma_start3A_14 : memref<64xi32, #tpu.memory_space<vmem>>) semaphore(%arg7 : memref<!tpu.dma_semaphore, #tpu.memory_space<semaphore_mem>>)
    %dma_wait3A_18 = arith.constant 64 : i32
    %dma_wait3A_19 = tpu.memref_slice %arg5[%dma_wait3A_18] : memref<128xi32, #tpu.memory_space<vmem>> -> memref<64xi32, #tpu.memory_space<vmem>>
    %dma_wait3A_20 = arith.constant 0 : i32
    %dma_wait3A_21 = arith.constant 0 : i32
    %dma_wait3A_22 = tpu.memref_slice %arg2[%dma_wait3A_20, %dma_wait3A_21] : memref<2048x1024xf32, #tpu.memory_space<hbm>> -> memref<2048x1024xf32, #tpu.memory_space<hbm>>
    tpu.wait_indirect_dma semaphore(%arg7 : memref<!tpu.dma_semaphore, #tpu.memory_space<semaphore_mem>>) src(%dma_wait3A_22 : memref<2048x1024xf32, #tpu.memory_space<hbm>>) dst(%arg6 : memref<64x1024xf32, #tpu.memory_space<vmem>>)
    %add3A_23 = arith.constant 64 : i32
    %add3A_24 = arith.addi %mul3A_2, %add3A_23 : i32
    "tpu.region"() ({
      %run_scoped3A = tpu.sem_alloc : memref<!tpu.dma_semaphore, #tpu.memory_space<semaphore_mem>>
      %dma_start3A_25 = arith.constant 0 : i32
      %dma_start3A_26 = tpu.memref_slice %arg4[%add3A_24, %dma_start3A_25] : memref<4096x1024xf32, #tpu.memory_space<hbm>> -> memref<64x1024xf32, #tpu.memory_space<hbm>>
      %dma_start3A_27 = arith.constant 0 : i32
      %dma_start3A_28 = tpu.memref_slice %arg4[%add3A_24, %dma_start3A_27] : memref<4096x1024xf32, #tpu.memory_space<hbm>> -> memref<64x1024xf32, #tpu.memory_space<hbm>>
      tpu.enqueue_dma source(%arg6 : memref<64x1024xf32, #tpu.memory_space<vmem>>) target(%dma_start3A_28 : memref<64x1024xf32, #tpu.memory_space<hbm>>) target_semaphore(%run_scoped3A : memref<!tpu.dma_semaphore, #tpu.memory_space<semaphore_mem>>)
      %dma_wait3A_29 = arith.constant 0 : i32
      %dma_wait3A_30 = tpu.memref_slice %arg4[%add3A_24, %dma_wait3A_29] : memref<4096x1024xf32, #tpu.memory_space<hbm>> -> memref<64x1024xf32, #tpu.memory_space<hbm>>
      %dma_wait3A_31 = arith.constant 0 : i32
      %dma_wait3A_32 = tpu.memref_slice %arg4[%add3A_24, %dma_wait3A_31] : memref<4096x1024xf32, #tpu.memory_space<hbm>> -> memref<64x1024xf32, #tpu.memory_space<hbm>>
      tpu.wait_dma2 semaphore(%run_scoped3A : memref<!tpu.dma_semaphore, #tpu.memory_space<semaphore_mem>>) src(%arg6 : memref<64x1024xf32, #tpu.memory_space<vmem>>) dst(%dma_wait3A_32 : memref<64x1024xf32, #tpu.memory_space<hbm>>)
      tpu.yield
    }) : () -> ()
    return
  }
}

#map = affine_map<(d0, d1) -> (0, 0)>
#map1 = affine_map<(d0, d1) -> (0)>
module attributes {stable_mosaic.version = 14 : i64} {
  func.func @k(%arg0: i32, %arg1: i32, %arg2: memref<4096x1024xf32, #tpu.memory_space<hbm>>, %arg3: memref<4096xi32, #tpu.memory_space<hbm>>, %arg4: memref<4096x1024xf32, #tpu.memory_space<hbm>>, %arg5: memref<128xi32, #tpu.memory_space<vmem>>, %arg6: memref<64x1024xf32, #tpu.memory_space<vmem>>, %arg7: memref<!tpu.dma_semaphore, #tpu.memory_space<semaphore_mem>>) attributes {dimension_semantics = [#tpu.dimension_semantics<core_parallel>, #tpu.dimension_semantics<subcore_parallel>], iteration_bounds = array<i64: 2, 16>, scalar_prefetch = 0 : i64, scratch_operands = 3 : i64, tpu.core_type = #tpu.core_type<sc_vector_subcore>, window_params = [{transform_indices = #map}, {transform_indices = #map1}, {transform_indices = #map}]} {
    %mul3A = arith.constant 2 : i32
    %mul3A_0 = arith.muli %arg1, %mul3A : i32
    %add3A = arith.addi %mul3A_0, %arg0 : i32
    %mul3A_1 = arith.constant 128 : i32
    %mul3A_2 = arith.muli %add3A, %mul3A_1 : i32
    "tpu.region"() ({
      %run_scoped3A = tpu.sem_alloc : memref<!tpu.dma_semaphore, #tpu.memory_space<semaphore_mem>>
      %dma_start3A_25 = tpu.memref_slice %arg3[%mul3A_2] : memref<4096xi32, #tpu.memory_space<hbm>> -> memref<128xi32, #tpu.memory_space<hbm>>
      %dma_start3A_26 = tpu.memref_slice %arg3[%mul3A_2] : memref<4096xi32, #tpu.memory_space<hbm>> -> memref<128xi32, #tpu.memory_space<hbm>>
      tpu.enqueue_dma source(%dma_start3A_26 : memref<128xi32, #tpu.memory_space<hbm>>) target(%arg5 : memref<128xi32, #tpu.memory_space<vmem>>) target_semaphore(%run_scoped3A : memref<!tpu.dma_semaphore, #tpu.memory_space<semaphore_mem>>)
      %dma_wait3A_27 = tpu.memref_slice %arg3[%mul3A_2] : memref<4096xi32, #tpu.memory_space<hbm>> -> memref<128xi32, #tpu.memory_space<hbm>>
      %dma_wait3A_28 = tpu.memref_slice %arg3[%mul3A_2] : memref<4096xi32, #tpu.memory_space<hbm>> -> memref<128xi32, #tpu.memory_space<hbm>>
      tpu.wait_dma2 semaphore(%run_scoped3A : memref<!tpu.dma_semaphore, #tpu.memory_space<semaphore_mem>>) src(%dma_wait3A_28 : memref<128xi32, #tpu.memory_space<hbm>>) dst(%arg5 : memref<128xi32, #tpu.memory_space<vmem>>)
      tpu.yield
    }) : () -> ()
    %dma_start3A = arith.constant 0 : i32
    %dma_start3A_3 = tpu.memref_slice %arg5[%dma_start3A] : memref<128xi32, #tpu.memory_space<vmem>> -> memref<64xi32, #tpu.memory_space<vmem>>
    %dma_start3A_4 = arith.constant 0 : i32
    %dma_start3A_5 = arith.constant 0 : i32
    %dma_start3A_6 = tpu.memref_slice %arg2[%dma_start3A_4, %dma_start3A_5] : memref<4096x1024xf32, #tpu.memory_space<hbm>> -> memref<4096x1024xf32, #tpu.memory_space<hbm>>
    tpu.enqueue_indirect_dma source(%dma_start3A_6 : memref<4096x1024xf32, #tpu.memory_space<hbm>>) target(%arg6 : memref<64x1024xf32, #tpu.memory_space<vmem>>) offsets(%dma_start3A_3 : memref<64xi32, #tpu.memory_space<vmem>>) semaphore(%arg7 : memref<!tpu.dma_semaphore, #tpu.memory_space<semaphore_mem>>)
    %dma_wait3A = arith.constant 0 : i32
    %dma_wait3A_7 = tpu.memref_slice %arg5[%dma_wait3A] : memref<128xi32, #tpu.memory_space<vmem>> -> memref<64xi32, #tpu.memory_space<vmem>>
    %dma_wait3A_8 = arith.constant 0 : i32
    %dma_wait3A_9 = arith.constant 0 : i32
    %dma_wait3A_10 = tpu.memref_slice %arg2[%dma_wait3A_8, %dma_wait3A_9] : memref<4096x1024xf32, #tpu.memory_space<hbm>> -> memref<4096x1024xf32, #tpu.memory_space<hbm>>
    tpu.wait_indirect_dma semaphore(%arg7 : memref<!tpu.dma_semaphore, #tpu.memory_space<semaphore_mem>>) src(%dma_wait3A_10 : memref<4096x1024xf32, #tpu.memory_space<hbm>>) dst(%arg6 : memref<64x1024xf32, #tpu.memory_space<vmem>>)
    %add3A_11 = arith.constant 0 : i32
    %add3A_12 = arith.addi %mul3A_2, %add3A_11 : i32
    "tpu.region"() ({
      %run_scoped3A = tpu.sem_alloc : memref<!tpu.dma_semaphore, #tpu.memory_space<semaphore_mem>>
      %dma_start3A_25 = arith.constant 0 : i32
      %dma_start3A_26 = tpu.memref_slice %arg4[%add3A_12, %dma_start3A_25] : memref<4096x1024xf32, #tpu.memory_space<hbm>> -> memref<64x1024xf32, #tpu.memory_space<hbm>>
      %dma_start3A_27 = arith.constant 0 : i32
      %dma_start3A_28 = tpu.memref_slice %arg4[%add3A_12, %dma_start3A_27] : memref<4096x1024xf32, #tpu.memory_space<hbm>> -> memref<64x1024xf32, #tpu.memory_space<hbm>>
      tpu.enqueue_dma source(%arg6 : memref<64x1024xf32, #tpu.memory_space<vmem>>) target(%dma_start3A_28 : memref<64x1024xf32, #tpu.memory_space<hbm>>) target_semaphore(%run_scoped3A : memref<!tpu.dma_semaphore, #tpu.memory_space<semaphore_mem>>)
      %dma_wait3A_29 = arith.constant 0 : i32
      %dma_wait3A_30 = tpu.memref_slice %arg4[%add3A_12, %dma_wait3A_29] : memref<4096x1024xf32, #tpu.memory_space<hbm>> -> memref<64x1024xf32, #tpu.memory_space<hbm>>
      %dma_wait3A_31 = arith.constant 0 : i32
      %dma_wait3A_32 = tpu.memref_slice %arg4[%add3A_12, %dma_wait3A_31] : memref<4096x1024xf32, #tpu.memory_space<hbm>> -> memref<64x1024xf32, #tpu.memory_space<hbm>>
      tpu.wait_dma2 semaphore(%run_scoped3A : memref<!tpu.dma_semaphore, #tpu.memory_space<semaphore_mem>>) src(%arg6 : memref<64x1024xf32, #tpu.memory_space<vmem>>) dst(%dma_wait3A_32 : memref<64x1024xf32, #tpu.memory_space<hbm>>)
      tpu.yield
    }) : () -> ()
    %dma_start3A_13 = arith.constant 64 : i32
    %dma_start3A_14 = tpu.memref_slice %arg5[%dma_start3A_13] : memref<128xi32, #tpu.memory_space<vmem>> -> memref<64xi32, #tpu.memory_space<vmem>>
    %dma_start3A_15 = arith.constant 0 : i32
    %dma_start3A_16 = arith.constant 0 : i32
    %dma_start3A_17 = tpu.memref_slice %arg2[%dma_start3A_15, %dma_start3A_16] : memref<4096x1024xf32, #tpu.memory_space<hbm>> -> memref<4096x1024xf32, #tpu.memory_space<hbm>>
    tpu.enqueue_indirect_dma source(%dma_start3A_17 : memref<4096x1024xf32, #tpu.memory_space<hbm>>) target(%arg6 : memref<64x1024xf32, #tpu.memory_space<vmem>>) offsets(%dma_start3A_14 : memref<64xi32, #tpu.memory_space<vmem>>) semaphore(%arg7 : memref<!tpu.dma_semaphore, #tpu.memory_space<semaphore_mem>>)
    %dma_wait3A_18 = arith.constant 64 : i32
    %dma_wait3A_19 = tpu.memref_slice %arg5[%dma_wait3A_18] : memref<128xi32, #tpu.memory_space<vmem>> -> memref<64xi32, #tpu.memory_space<vmem>>
    %dma_wait3A_20 = arith.constant 0 : i32
    %dma_wait3A_21 = arith.constant 0 : i32
    %dma_wait3A_22 = tpu.memref_slice %arg2[%dma_wait3A_20, %dma_wait3A_21] : memref<4096x1024xf32, #tpu.memory_space<hbm>> -> memref<4096x1024xf32, #tpu.memory_space<hbm>>
    tpu.wait_indirect_dma semaphore(%arg7 : memref<!tpu.dma_semaphore, #tpu.memory_space<semaphore_mem>>) src(%dma_wait3A_22 : memref<4096x1024xf32, #tpu.memory_space<hbm>>) dst(%arg6 : memref<64x1024xf32, #tpu.memory_space<vmem>>)
    %add3A_23 = arith.constant 64 : i32
    %add3A_24 = arith.addi %mul3A_2, %add3A_23 : i32
    "tpu.region"() ({
      %run_scoped3A = tpu.sem_alloc : memref<!tpu.dma_semaphore, #tpu.memory_space<semaphore_mem>>
      %dma_start3A_25 = arith.constant 0 : i32
      %dma_start3A_26 = tpu.memref_slice %arg4[%add3A_24, %dma_start3A_25] : memref<4096x1024xf32, #tpu.memory_space<hbm>> -> memref<64x1024xf32, #tpu.memory_space<hbm>>
      %dma_start3A_27 = arith.constant 0 : i32
      %dma_start3A_28 = tpu.memref_slice %arg4[%add3A_24, %dma_start3A_27] : memref<4096x1024xf32, #tpu.memory_space<hbm>> -> memref<64x1024xf32, #tpu.memory_space<hbm>>
      tpu.enqueue_dma source(%arg6 : memref<64x1024xf32, #tpu.memory_space<vmem>>) target(%dma_start3A_28 : memref<64x1024xf32, #tpu.memory_space<hbm>>) target_semaphore(%run_scoped3A : memref<!tpu.dma_semaphore, #tpu.memory_space<semaphore_mem>>)
      %dma_wait3A_29 = arith.constant 0 : i32
      %dma_wait3A_30 = tpu.memref_slice %arg4[%add3A_24, %dma_wait3A_29] : memref<4096x1024xf32, #tpu.memory_space<hbm>> -> memref<64x1024xf32, #tpu.memory_space<hbm>>
      %dma_wait3A_31 = arith.constant 0 : i32
      %dma_wait3A_32 = tpu.memref_slice %arg4[%add3A_24, %dma_wait3A_31] : memref<4096x1024xf32, #tpu.memory_space<hbm>> -> memref<64x1024xf32, #tpu.memory_space<hbm>>
      tpu.wait_dma2 semaphore(%run_scoped3A : memref<!tpu.dma_semaphore, #tpu.memory_space<semaphore_mem>>) src(%arg6 : memref<64x1024xf32, #tpu.memory_space<vmem>>) dst(%dma_wait3A_32 : memref<64x1024xf32, #tpu.memory_space<hbm>>)
      tpu.yield
    }) : () -> ()
    return
  }
}

module attributes {stable_mosaic.version = 14 : i64} {
  func.func @_ffn_body(%arg0: i32, %arg1: memref<65xi32, #tpu.memory_space<smem>>, %arg2: memref<4096x1024xf32, #tpu.memory_space<vmem>>, %arg3: memref<1x2048x1024xf32, #tpu.memory_space<vmem>>, %arg4: memref<1x1024x1024xf32, #tpu.memory_space<vmem>>, %arg5: memref<4096x1024xf32, #tpu.memory_space<vmem>>) attributes {dimension_semantics = [#tpu.dimension_semantics<arbitrary>], iteration_bounds = array<i64: 64>, scalar_prefetch = 1 : i64, scratch_operands = 0 : i64, tpu.core_type = #tpu.core_type<tc>, window_params = [{pipeline_mode = #tpu.pipeline_mode<synchronous>, transform_indices = @transform_0, window_bounds = array<i64: 4096, 1024>}, {transform_indices = @transform_1, window_bounds = array<i64: 1, 2048, 1024>}, {transform_indices = @transform_2, window_bounds = array<i64: 1, 1024, 1024>}, {pipeline_mode = #tpu.pipeline_mode<synchronous>, transform_indices = @transform_3, window_bounds = array<i64: 4096, 1024>}]} {
    %get3A = arith.index_cast %arg0 : i32 to index
    %get3A_0 = memref.load %arg1[%get3A] : memref<65xi32, #tpu.memory_space<smem>>
    %add3A = arith.constant 1 : i32
    %add3A_1 = arith.addi %arg0, %add3A : i32
    %get3A_2 = arith.index_cast %add3A_1 : i32 to index
    %get3A_3 = memref.load %arg1[%get3A_2] : memref<65xi32, #tpu.memory_space<smem>>
    %jit3A = arith.constant 8 : i32
    %div3A = arith.divsi %get3A_0, %jit3A : i32
    %sign3A = arith.constant 0 : i32
    %sign3A_4 = arith.cmpi sgt, %get3A_0, %sign3A : i32
    %sign3A_5 = arith.extui %sign3A_4 : i1 to i32
    %sign3A_6 = arith.constant 0 : i32
    %sign3A_7 = arith.cmpi slt, %get3A_0, %sign3A_6 : i32
    %sign3A_8 = arith.extui %sign3A_7 : i1 to i32
    %sign3A_9 = arith.subi %sign3A_5, %sign3A_8 : i32
    %sign3A_10 = arith.constant 0 : i32
    %sign3A_11 = arith.cmpi sgt, %jit3A, %sign3A_10 : i32
    %sign3A_12 = arith.extui %sign3A_11 : i1 to i32
    %sign3A_13 = arith.constant 0 : i32
    %sign3A_14 = arith.cmpi slt, %jit3A, %sign3A_13 : i32
    %sign3A_15 = arith.extui %sign3A_14 : i1 to i32
    %sign3A_16 = arith.subi %sign3A_12, %sign3A_15 : i32
    %ne3A = arith.cmpi ne, %sign3A_9, %sign3A_16 : i32
    %rem3A = arith.remsi %get3A_0, %jit3A : i32
    %ne3A_17 = arith.constant 0 : i32
    %ne3A_18 = arith.cmpi ne, %rem3A, %ne3A_17 : i32
    %and3A = arith.andi %ne3A, %ne3A_18 : i1
    %sub3A = arith.constant 1 : i32
    %sub3A_19 = arith.subi %div3A, %sub3A : i32
    %select_n3A = arith.select %and3A, %sub3A_19, %div3A : i32
    %mul3A = arith.constant 8 : i32
    %mul3A_20 = arith.muli %select_n3A, %mul3A : i32
    %sub3A_21 = arith.subi %get3A_3, %mul3A_20 : i32
    %add3A_22 = arith.constant 128 : i32
    %add3A_23 = arith.addi %sub3A_21, %add3A_22 : i32
    %sub3A_24 = arith.constant 1 : i32
    %sub3A_25 = arith.subi %add3A_23, %sub3A_24 : i32
    %div3A_26 = arith.constant 128 : i32
    %div3A_27 = arith.divsi %sub3A_25, %div3A_26 : i32
    %max3A = arith.constant 0 : i32
    %max3A_28 = arith.maxsi %div3A_27, %max3A : i32
    %while3A = arith.constant 0 : i32
    %while3A_29 = arith.constant 0 : i32
    %while3A_30 = arith.subi %max3A_28, %while3A_29 : i32
    %while3A_31 = arith.addi %while3A_29, %while3A_30 : i32
    %while3A_32 = arith.constant 1 : i32
    %while3A_33 = arith.divsi %while3A_30, %while3A_32 : i32
    %while3A_34 = arith.muli %while3A_33, %while3A_32 : i32
    %while3A_35 = arith.addi %while3A_29, %while3A_34 : i32
    %while3A_36 = arith.constant 1 : i32
    scf.for %while3A_38 = %while3A_29 to %while3A_35 step %while3A_36  : i32 {
      %mul3A_39 = arith.constant 128 : i32
      %mul3A_40 = arith.muli %while3A_38, %mul3A_39 : i32
      %add3A_41 = arith.addi %mul3A_20, %mul3A_40 : i32
      %min3A = arith.constant 3968 : i32
      %min3A_42 = arith.minsi %add3A_41, %min3A : i32
      %get3A_43 = arith.index_cast %min3A_42 : i32 to index
      %get3A_44 = arith.constant 0 : index
      %get3A_45 = vector.load %arg2[%get3A_43, %get3A_44] : memref<4096x1024xf32, #tpu.memory_space<vmem>>, vector<128x1024xf32>
      %get3A_46 = arith.constant 0 : index
      %get3A_47 = arith.constant 0 : index
      %get3A_48 = arith.constant 0 : index
      %get3A_49 = vector.load %arg3[%get3A_46, %get3A_47, %get3A_48] : memref<1x2048x1024xf32, #tpu.memory_space<vmem>>, vector<1x2048x1024xf32>
      %get3A_50 = vector.shape_cast %get3A_49 : vector<1x2048x1024xf32> to vector<2048x1024xf32>
      %dot_general3A = arith.constant dense<0.000000e+00> : vector<128x2048xf32>
      %dot_general3A_51 = tpu.matmul %get3A_45, %get3A_50, %dot_general3A {dimension_numbers = #tpu.dot_dimension_numbers<[1], [1], [0], [0], [0, 0, 1, 0], [], []>, transpose_lhs_hint = false} : vector<128x1024xf32>, vector<2048x1024xf32>, vector<128x2048xf32> -> vector<128x2048xf32>
      %slice3A = vector.extract_strided_slice %dot_general3A_51 {offsets = [0, 0], sizes = [128, 1024], strides = [1, 1]} : vector<128x2048xf32> to vector<128x1024xf32>
      %slice3A_52 = vector.extract_strided_slice %dot_general3A_51 {offsets = [0, 1024], sizes = [128, 1024], strides = [1, 1]} : vector<128x2048xf32> to vector<128x1024xf32>
      %logistic3A = arith.negf %slice3A_52 : vector<128x1024xf32>
      %logistic3A_53 = math.exp %logistic3A : vector<128x1024xf32>
      %logistic3A_54 = arith.constant 1.000000e+00 : f32
      %logistic3A_55 = vector.broadcast %logistic3A_54 : f32 to vector<128x1024xf32>
      %logistic3A_56 = arith.addf %logistic3A_55, %logistic3A_53 : vector<128x1024xf32>
      %logistic3A_57 = arith.divf %logistic3A_55, %logistic3A_56 : vector<128x1024xf32>
      %mul3A_58 = arith.mulf %slice3A_52, %logistic3A_57 : vector<128x1024xf32>
      %mul3A_59 = arith.mulf %slice3A, %mul3A_58 : vector<128x1024xf32>
      %get3A_60 = arith.constant 0 : index
      %get3A_61 = arith.constant 0 : index
      %get3A_62 = arith.constant 0 : index
      %get3A_63 = vector.load %arg4[%get3A_60, %get3A_61, %get3A_62] : memref<1x1024x1024xf32, #tpu.memory_space<vmem>>, vector<1x1024x1024xf32>
      %get3A_64 = vector.shape_cast %get3A_63 : vector<1x1024x1024xf32> to vector<1024x1024xf32>
      %dot_general3A_65 = arith.constant dense<0.000000e+00> : vector<128x1024xf32>
      %dot_general3A_66 = tpu.matmul %mul3A_59, %get3A_64, %dot_general3A_65 {dimension_numbers = #tpu.dot_dimension_numbers<[1], [1], [0], [0], [0, 0, 1, 0], [], []>, transpose_lhs_hint = false} : vector<128x1024xf32>, vector<1024x1024xf32>, vector<128x1024xf32> -> vector<128x1024xf32>
      %iota3A = tpu.iota {dimensions = array<i32: 0>} : vector<128x1xi32>
      %add3A_67 = vector.broadcast %min3A_42 : i32 to vector<128x1xi32>
      %add3A_68 = arith.addi %add3A_67, %iota3A : vector<128x1xi32>
      %ge3A = vector.broadcast %get3A_0 : i32 to vector<128x1xi32>
      %ge3A_69 = arith.cmpi sge, %add3A_68, %ge3A : vector<128x1xi32>
      %lt3A = vector.broadcast %get3A_3 : i32 to vector<128x1xi32>
      %lt3A_70 = arith.cmpi slt, %add3A_68, %lt3A : vector<128x1xi32>
      %and3A_71 = arith.andi %ge3A_69, %lt3A_70 : vector<128x1xi1>
      %get3A_72 = arith.index_cast %min3A_42 : i32 to index
      %get3A_73 = arith.constant 0 : index
      %get3A_74 = vector.load %arg5[%get3A_72, %get3A_73] : memref<4096x1024xf32, #tpu.memory_space<vmem>>, vector<128x1024xf32>
      %broadcast_in_dim3A = vector.shape_cast %and3A_71 : vector<128x1xi1> to vector<128x1xi1>
      %broadcast_in_dim3A_75 = vector.broadcast %broadcast_in_dim3A : vector<128x1xi1> to vector<128x1024xi1>
      %select_n3A_76 = arith.select %broadcast_in_dim3A_75, %dot_general3A_66, %get3A_74 : vector<128x1024xi1>, vector<128x1024xf32>
      %swap3A = arith.index_cast %min3A_42 : i32 to index
      %swap3A_77 = arith.constant 0 : index
      %swap3A_78 = vector.load %arg5[%swap3A, %swap3A_77] : memref<4096x1024xf32, #tpu.memory_space<vmem>>, vector<128x1024xf32>
      tpu.vector_store %arg5[%swap3A, %swap3A_77], %select_n3A_76 {strides = array<i32>} : memref<4096x1024xf32, #tpu.memory_space<vmem>>, vector<128x1024xf32>,
    }
    %while3A_37 = arith.constant 1 : i32
    scf.for %while3A_38 = %while3A_35 to %while3A_31 step %while3A_37  : i32 {
      %mul3A_39 = arith.constant 128 : i32
      %mul3A_40 = arith.muli %while3A_38, %mul3A_39 : i32
      %add3A_41 = arith.addi %mul3A_20, %mul3A_40 : i32
      %min3A = arith.constant 3968 : i32
      %min3A_42 = arith.minsi %add3A_41, %min3A : i32
      %get3A_43 = arith.index_cast %min3A_42 : i32 to index
      %get3A_44 = arith.constant 0 : index
      %get3A_45 = vector.load %arg2[%get3A_43, %get3A_44] : memref<4096x1024xf32, #tpu.memory_space<vmem>>, vector<128x1024xf32>
      %get3A_46 = arith.constant 0 : index
      %get3A_47 = arith.constant 0 : index
      %get3A_48 = arith.constant 0 : index
      %get3A_49 = vector.load %arg3[%get3A_46, %get3A_47, %get3A_48] : memref<1x2048x1024xf32, #tpu.memory_space<vmem>>, vector<1x2048x1024xf32>
      %get3A_50 = vector.shape_cast %get3A_49 : vector<1x2048x1024xf32> to vector<2048x1024xf32>
      %dot_general3A = arith.constant dense<0.000000e+00> : vector<128x2048xf32>
      %dot_general3A_51 = tpu.matmul %get3A_45, %get3A_50, %dot_general3A {dimension_numbers = #tpu.dot_dimension_numbers<[1], [1], [0], [0], [0, 0, 1, 0], [], []>, transpose_lhs_hint = false} : vector<128x1024xf32>, vector<2048x1024xf32>, vector<128x2048xf32> -> vector<128x2048xf32>
      %slice3A = vector.extract_strided_slice %dot_general3A_51 {offsets = [0, 0], sizes = [128, 1024], strides = [1, 1]} : vector<128x2048xf32> to vector<128x1024xf32>
      %slice3A_52 = vector.extract_strided_slice %dot_general3A_51 {offsets = [0, 1024], sizes = [128, 1024], strides = [1, 1]} : vector<128x2048xf32> to vector<128x1024xf32>
      %logistic3A = arith.negf %slice3A_52 : vector<128x1024xf32>
      %logistic3A_53 = math.exp %logistic3A : vector<128x1024xf32>
      %logistic3A_54 = arith.constant 1.000000e+00 : f32
      %logistic3A_55 = vector.broadcast %logistic3A_54 : f32 to vector<128x1024xf32>
      %logistic3A_56 = arith.addf %logistic3A_55, %logistic3A_53 : vector<128x1024xf32>
      %logistic3A_57 = arith.divf %logistic3A_55, %logistic3A_56 : vector<128x1024xf32>
      %mul3A_58 = arith.mulf %slice3A_52, %logistic3A_57 : vector<128x1024xf32>
      %mul3A_59 = arith.mulf %slice3A, %mul3A_58 : vector<128x1024xf32>
      %get3A_60 = arith.constant 0 : index
      %get3A_61 = arith.constant 0 : index
      %get3A_62 = arith.constant 0 : index
      %get3A_63 = vector.load %arg4[%get3A_60, %get3A_61, %get3A_62] : memref<1x1024x1024xf32, #tpu.memory_space<vmem>>, vector<1x1024x1024xf32>
      %get3A_64 = vector.shape_cast %get3A_63 : vector<1x1024x1024xf32> to vector<1024x1024xf32>
      %dot_general3A_65 = arith.constant dense<0.000000e+00> : vector<128x1024xf32>
      %dot_general3A_66 = tpu.matmul %mul3A_59, %get3A_64, %dot_general3A_65 {dimension_numbers = #tpu.dot_dimension_numbers<[1], [1], [0], [0], [0, 0, 1, 0], [], []>, transpose_lhs_hint = false} : vector<128x1024xf32>, vector<1024x1024xf32>, vector<128x1024xf32> -> vector<128x1024xf32>
      %iota3A = tpu.iota {dimensions = array<i32: 0>} : vector<128x1xi32>
      %add3A_67 = vector.broadcast %min3A_42 : i32 to vector<128x1xi32>
      %add3A_68 = arith.addi %add3A_67, %iota3A : vector<128x1xi32>
      %ge3A = vector.broadcast %get3A_0 : i32 to vector<128x1xi32>
      %ge3A_69 = arith.cmpi sge, %add3A_68, %ge3A : vector<128x1xi32>
      %lt3A = vector.broadcast %get3A_3 : i32 to vector<128x1xi32>
      %lt3A_70 = arith.cmpi slt, %add3A_68, %lt3A : vector<128x1xi32>
      %and3A_71 = arith.andi %ge3A_69, %lt3A_70 : vector<128x1xi1>
      %get3A_72 = arith.index_cast %min3A_42 : i32 to index
      %get3A_73 = arith.constant 0 : index
      %get3A_74 = vector.load %arg5[%get3A_72, %get3A_73] : memref<4096x1024xf32, #tpu.memory_space<vmem>>, vector<128x1024xf32>
      %broadcast_in_dim3A = vector.shape_cast %and3A_71 : vector<128x1xi1> to vector<128x1xi1>
      %broadcast_in_dim3A_75 = vector.broadcast %broadcast_in_dim3A : vector<128x1xi1> to vector<128x1024xi1>
      %select_n3A_76 = arith.select %broadcast_in_dim3A_75, %dot_general3A_66, %get3A_74 : vector<128x1024xi1>, vector<128x1024xf32>
      %swap3A = arith.index_cast %min3A_42 : i32 to index
      %swap3A_77 = arith.constant 0 : index
      %swap3A_78 = vector.load %arg5[%swap3A, %swap3A_77] : memref<4096x1024xf32, #tpu.memory_space<vmem>>, vector<128x1024xf32>
      tpu.vector_store %arg5[%swap3A, %swap3A_77], %select_n3A_76 {strides = array<i32>} : memref<4096x1024xf32, #tpu.memory_space<vmem>>, vector<128x1024xf32>,
    }
    return
  }
  func.func @transform_0(%arg0: i32, %arg1: memref<65xi32, #tpu.memory_space<smem>>) -> (i32, i32) {
    %c0_i32 = arith.constant 0 : i32
    %c0_i32_0 = arith.constant 0 : i32
    %c0_i32_1 = arith.constant 0 : i32
    return %c0_i32, %c0_i32_0 : i32, i32
  }
  func.func @transform_1(%arg0: i32, %arg1: memref<65xi32, #tpu.memory_space<smem>>) -> (i32, i32, i32) {
    %c0_i32 = arith.constant 0 : i32
    %c0_i32_0 = arith.constant 0 : i32
    %c0_i32_1 = arith.constant 0 : i32
    return %arg0, %c0_i32, %c0_i32_0 : i32, i32, i32
  }
  func.func @transform_2(%arg0: i32, %arg1: memref<65xi32, #tpu.memory_space<smem>>) -> (i32, i32, i32) {
    %c0_i32 = arith.constant 0 : i32
    %c0_i32_0 = arith.constant 0 : i32
    %c0_i32_1 = arith.constant 0 : i32
    return %arg0, %c0_i32, %c0_i32_0 : i32, i32, i32
  }
  func.func @transform_3(%arg0: i32, %arg1: memref<65xi32, #tpu.memory_space<smem>>) -> (i32, i32) {
    %c0_i32 = arith.constant 0 : i32
    %c0_i32_0 = arith.constant 0 : i32
    %c0_i32_1 = arith.constant 0 : i32
    return %c0_i32, %c0_i32_0 : i32, i32
  }
}

</mosaic_0001>

<sc_bundles>
// kernel: kernel.5.cloned.1.call-start
scs
__scs_entry_jumppad:
0x0: {  	(pc) =	sbr.rel $0x88, $3  }
0x1: {  	(tag) =	ssettag $0x0;
	lr =	simm.s32 $0x1  }
0x2: {  	[smem:$0x3F9C] =	sst lr;
	_ =	strace $0xD0000000  }
0x3: {  	_ = 	snop  }
0x4: {  	_ = 	snop  }
0x5: {  	_ = 	snop  }
0x6: {  	_ = 	snop  }
0x7: {  	_ = 	snop  }
__scs_overlays_trampoline_lowered:
0x8: {  	[smem:$0x3FAB] =	sst s0  }
0x9: {  	[smem:$0x3FAC] =	sst s1  }
0xa: {  	[smem:$0x3FAD] =	sst s2  }
0xb: {  	[smem:$0x3FAE] =	sst s3  }
0xc: {  	[smem:$0x3FAF] =	sst s4  }
0xd: {  	[smem:$0x3FB0] =	sst s5  }
0xe: {  	[smem:$0x3FB1] =	sst s6  }
0xf: {  	[smem:$0x3FB2] =	sst s7  }
0x10: {  	[smem:$0x3FB3] =	sst s8  }
0x11: {  	[smem:$0x3FB4] =	sst s9;
	s0 =	simm.s32 @!p0 $0x0  }
0x12: {  	s1 =	sld [smem:$0x3F9A];
	s0 =	simm.s32 @p0 $0x1  }
0x13: {  	[smem:$0x3FB5] =	sst s0;
	s0 =	simm.s32 @!p1 $0x0  }
0x14: {  	s2 =	sld [smem:$0x3F99];
	s0 =	simm.s32 @p1 $0x1  }
0x15: {  	[smem:$0x3FB6] =	sst s0;
	s0 =	simm.s32 @!p2 $0x0  }
0x16: {  	s3 =	sld [smem:$0x3FDB];
	s0 =	simm.s32 @p2 $0x1  }
0x17: {  	s4 =	simm.s32 $0x1BF5;
	[smem:$0x3FB8] =	sst s0  }
0x18: {  	s0 =	sld [smem:$0x3F9B];
	_ =	swait.ge [sflag:s4], $0x0  }
0x19: {  	s7 =	sld [smem:$0x3F9C]  }
0x1a: {  	s8 =	sadd.s32 $0xFFFFE003, lr  }
0x1b: {  	s9 =	sadd.s32 $0xFFFFFEF7, lr;
	s5 =	simm.s32 $0xFFFFFFFF;
	p2 =	slt.u32 s8, $0xFFFFF086  }
0x1c: {  	p1 =	slt.u32 s9, $0xF7A;
	s5 =	simm.s32 @!p2 $0x0  }
0x1d: {  	s5 =	simm.s32 @p1 $0x1;
	p0 =	seq.s32 s7, s2  }
0x1e: {  	s7 =	smul.u32 @!p0 $0xF7A, s2;
	p2 =	seq.s32 @!p0 s5, $0x0  }
0x1f: {  	s9 =	smul.u32 $0xF7A, s1;
	s8 =	simm.s32 @!p0 $0x1BF5;
	p2 =	por !p2, p0  }
0x20: {  	[sflag:s8] =	ssyncset.s32 @!p0 $0xFFFFF086;
	s6 =	sadd.s32 @!p0 s3, s7;
	s7 =	simm.s32 @!p0 $0x108  }
0x21: {  	s3 =	sadd.s32 s3, s9;
	s6 =	sadd.s32 @!p0 $0x88, s6;
	s7 =	simm.s32 @p2 $0x1082  }
0x22: {  	[simem:s7], [sflag:s8] =	dma.local @!p0 [hbm:s6], $0xF7A  }
0x23: {  	s9 =	sor.u32 $0xD0000000, s2;
	s6 =	simm.s32 $0x108;
	_ =	swait.ge @!p0 [sflag:s8], $0x0  }
0x24: {  	s3 =	sadd.s32 $0x88, s3;
	s6 =	simm.s32 @!p1 $0x1082;
	[sflag:s4] =	ssyncset.s32 $0xFFFFF086  }
0x25: {  	[simem:s6], [sflag:s4] =	dma.local [hbm:s3], $0xF7A  }
0x26: {  	[smem:$0x3F9C] =	sst s1;
	(tag) =	ssettag s2;
	_ =	strace s9  }
0x27: {  	s1 =	sld [smem:$0x3FAC]  }
0x28: {  	s2 =	sld [smem:$0x3FAD]  }
0x29: {  	s4 =	sld [smem:$0x3FAF]  }
0x2a: {  	p0 =	seq.s32 s5, $0x0;
	s5 =	sld [smem:$0x3FB0]  }
0x2b: {  	s6 =	sld [smem:$0x3FB1]  }
0x2c: {  	s7 =	sld [smem:$0x3FB2]  }
0x2d: {  	s3 =	simm.s32 $0x108;
	s8 =	sld [smem:$0x3FB3]  }
0x2e: {  	s3 =	simm.s32 @!p0 $0x1082;
	s9 =	sld [smem:$0x3FB4]  }
0x2f: {  	lr =	sadd.s32 s0, s3;
	s0 =	sld [smem:$0x3FAB]  }
0x30: {  	s3 =	sld [smem:$0x3FAE]  }
0x31: {  	[smem:$0x3FB7] =	sst s10  }
0x32: {  	s10 =	sld [smem:$0x3FB5];
	_ =	sdelay $0x3  }
0x33: {  	p0 =	seq.s32 s10, $0x1;
	s10 =	sld [smem:$0x3FB7];
	_ =	sdelay $0x3  }
0x34: {  	[smem:$0x3FB7] =	sst s10  }
0x35: {  	s10 =	sld [smem:$0x3FB6];
	_ =	sdelay $0x3  }
0x36: {  	p1 =	seq.s32 s10, $0x1;
	s10 =	sld [smem:$0x3FB7];
	_ =	sdelay $0x3  }
0x37: {  	[smem:$0x3FB7] =	sst s10  }
0x38: {  	s10 =	sld [smem:$0x3FB8]  }
0x39: {  	_ = 	snop;
	(pc) =	sbr.ind lr, $3  }
0x3a: {  	_ = 	snop  }
0x3b: {  	_ = 	snop  }
0x3c: {  	p2 =	seq.s32 s10, $0x1;
	s10 =	sld [smem:$0x3FB7]  }
0x3d: {  	_ =	shalt  }
0x3e: {  	_ =	shalt  }
0x3f: {  	_ =	shalt  }
0x40: {  	_ =	shalt  }
0x41: {  	_ =	shalt  }
0x42: {  	_ =	shalt  }
0x43: {  	_ =	shalt  }
0x44: {  	_ =	shalt  }
0x45: {  	_ =	shalt  }
0x46: {  	_ =	shalt  }
0x47: {  	_ =	shalt  }
0x48: {  	_ =	shalt  }
0x49: {  	_ =	shalt  }
0x4a: {  	_ =	shalt  }
0x4b: {  	_ =	shalt  }
0x4c: {  	_ =	shalt  }
0x4d: {  	_ =	shalt  }
0x4e: {  	_ =	shalt  }
0x4f: {  	_ =	shalt  }
0x50: {  	_ =	shalt  }
0x51: {  	_ =	shalt  }
0x52: {  	_ =	shalt  }
0x53: {  	_ =	shalt  }
0x54: {  	_ =	shalt  }
0x55: {  	_ =	shalt  }
0x56: {  	_ =	shalt  }
0x57: {  	_ =	shalt  }
0x58: {  	_ =	shalt  }
0x59: {  	_ =	shalt  }
0x5a: {  	_ =	shalt  }
0x5b: {  	_ =	shalt  }
0x5c: {  	_ =	shalt  }
0x5d: {  	_ =	shalt  }
0x5e: {  	_ =	shalt  }
0x5f: {  	_ =	shalt  }
0x60: {  	_ =	shalt  }
0x61: {  	_ =	shalt  }
0x62: {  	_ =	shalt  }
0x63: {  	_ =	shalt  }
0x64: {  	_ =	shalt  }
0x65: {  	_ =	shalt  }
0x66: {  	_ =	shalt  }
0x67: {  	_ =	shalt  }
0x68: {  	_ =	shalt  }
0x69: {  	_ =	shalt  }
0x6a: {  	_ =	shalt  }
0x6b: {  	_ =	shalt  }
0x6c: {  	_ =	shalt  }
0x6d: {  	_ =	shalt  }
0x6e: {  	_ =	shalt  }
0x6f: {  	_ =	shalt  }
0x70: {  	_ =	shalt  }
0x71: {  	_ =	shalt  }
0x72: {  	_ =	shalt  }
0x73: {  	_ =	shalt  }
0x74: {  	_ =	shalt  }
0x75: {  	_ =	shalt  }
0x76: {  	_ =	shalt  }
0x77: {  	_ =	shalt  }
0x78: {  	_ =	shalt  }
0x79: {  	_ =	shalt  }
0x7a: {  	_ =	shalt  }
0x7b: {  	_ =	shalt  }
0x7c: {  	_ =	shalt  }
0x7d: {  	_ =	shalt  }
0x7e: {  	_ =	shalt  }
0x7f: {  	_ =	shalt  }
0x80: {  	_ =	shalt  }
0x81: {  	_ =	shalt  }
0x82: {  	_ =	shalt  }
0x83: {  	_ =	shalt  }
0x84: {  	_ =	shalt  }
0x85: {  	_ =	shalt  }
0x86: {  	_ =	shalt  }
0x87: {  	_ =	shalt  }
.Lfunc_end0:
.L_simem_size_0:
called_computation_lowered:
.L_overlay_start_0:
0x88: {  	s2 =	sld [smem:$0x3FD9]  }
0x89: {  	s3 =	sld [smem:$0x3FFE];
	_ =	sdelay $0x1  }
0x8a: {  	s1 =	srdreg.scid  }
0x8b: {  	s0 =	sand.u32 $0x1, s1  }
0x8c: {  	s17 =	sshll.u32 s0, $0xA;
	s2 =	sadd.s32 s3, s2  }
0x8d: {  	s2 =	sadd.s32 s2, s17  }
0x8e: {  	[smem:$0x3FC3] =	sst s2  }
0x8f: {  	_ = 	snop  }
0x90: {  	s2 =	sld [smem:$0x3FC9]  }
0x91: {  	s18 =	sld [smem:$0x3FD0];
	(tm) =	ssettm $0x1  }
0x92: {  	s4 =	sld [smem:$0x3FFB];
	_ =	sdelay $0x3  }
0x93: {  	_ =	strace s4  }
0x94: {  	s4 =	sld [smem:$0x3FFC];
	_ =	sdelay $0x3  }
0x95: {  	_ =	strace s4  }
0x96: {  	s4 =	sld [smem:$0x3FFD];
	_ =	sdelay $0x3  }
0x97: {  	_ =	strace s4  }
0x98: {  	_ =	strace $0x8FFFFFFF  }
0x99: {  	s19 =	sld [smem:$0x3FDB];
	_ =	sdelay $0x1  }
0x9a: {  	s5 =	simm.s32 $_scs_section_size  }
0x9b: {  	s6 =	simm.s32 $_size__tile_overlayer_lowered;
	s7 =	simm.s32 $_tile_overlayer_lowered  }
0x9c: {  	s22 =	simm.s32 $0x1BFF;
	s21 =	sshll.u32 s7, $0x1;
	s4 =	sadd.s32 s5, s19  }
0x9d: {  	s8 =	simm.s32 $0x0;
	s20 =	sshll.u32 s6, $0x1;
	s6 =	sadd.s32 s21, s4  }
0x9e: {  	[timem:s8], [sflag:s22] =	dma.local [hbm:s6], s20  }
0x9f: {  	_ =	swait.ge [sflag:s22], s20  }
0xa0: {  	s5 =	ssub.s32 $0x0, s20;
	[sflag:s22] =	ssyncset.done $0x0  }
0xa1: {  	[sflag:s22] =	ssyncadd.s32 s5;
	_ =	sdelay $0x1  }
0xa2: {  	s23 =	simm.s32 $0x1B8B  }
0xa3: {  	_ =	swait.ge [sflag:s23], $0x1  }
0xa4: {  	[sflag:s23] =	ssyncset.done $0x0  }
0xa5: {  	s25 =	simm.s32 $0x1B8E;
	s24 =	sld [smem:$0x3FFE];
	[sflag:s23] =	ssyncadd.s32 $0xFFFFFFFF  }
0xa6: {  	s26 =	simm.s32 $execute0_lowered;
	[smem:$0x3FD2] =	sst s25  }
0xa7: {  	s6 =	sshll.u32 s26, $0x1;
	_ =	strace $0x80000046;
	[dreg:$0x1] =	wrdreg $0xFFFFFFFF  }
0xa8: {  	s28 =	simm.s32 $_size_execute0_lowered;
	s4 =	sadd.s32 s4, s6;
	[dreg:$0x0] =	wrdreg $0x0  }
0xa9: {  	s6 =	sshll.u32 s28, $0x1;
	[dreg:$0x2] =	wrdreg s4  }
0xaa: {  	[dreg:$0x3] =	wrdreg s6  }
0xab: {  	[dreg:$0x4] =	wrdreg $0xC0  }
0xac: {  	_ =	task [dreg:s8], $0x5FFFF  }
0xad: {  	[dreg:$0x1] =	wrdreg $0xFFFFFFFF  }
0xae: {  	[dreg:$0x0] =	wrdreg $0x60  }
0xaf: {  	[dreg:$0x2] =	wrdreg s2  }
0xb0: {  	[dreg:$0x3] =	wrdreg s24  }
0xb1: {  	[dreg:$0x4] =	wrdreg s18  }
0xb2: {  	[dreg:$0x5] =	wrdreg $0x9  }
0xb3: {  	_ =	task.clear_ibuf [dreg:s8], $0x6FFFF;
	_ =	strace $0x90000046  }
0xb4: {  	s29 =	simm.s32 $0x9;
	_ =	strace $0x80000048  }
0xb5: {  	_ =	swait.ge [sflag:s29], $0x1  }
0xb6: {  	[sflag:s29] =	ssyncadd.s32 $0xFFFFFFFF  }
0xb7: {  	_ =	strace $0x90000048  }
0xb8: {  	_ =	sfence  }
0xb9: {  	s30 =	sld [smem:$0x0];
	_ =	sdelay $0x2  }
0xba: {  	s31 =	sshll.u32 s1, $0xD;
	s1 =	sshrl.u32 s1, $0x2  }
0xbb: {  	s3 =	sand.u32 $0x4000, s31;
	s1 =	sadd.s32 s1, s30  }
0xbc: {  	s0 =	sor.u32 s3, s0;
	s1 =	sshll.u32 s1, $0x11  }
0xbd: {  	s0 =	sor.u32 s1, s0  }
0xbe: {  	s0 =	sadd.s32 $0x8F2B, s0  }
0xbf: {  	[sflag:s0] =	ssyncadd.remote.s32 $0x1  }
0xc0: {  	_ =	sfence.sel $0xFFFF  }
0xc1: {  	[dreg:$0x0] =	wrdreg $0xFFFFFFFF;
	(pc) =	sbr.abs _section_cstart, $3  }
0xc2: {  	[dreg:$0x1] =	wrdreg $0xFFFFFFFF  }
0xc3: {  	_ =	task.clear_ibuf [dreg:s8], $0x2FFFF;
	_ =	strace $0x9FFFFFFF  }
0xc4: {  	(tm) =	ssettm $0x7FFFFFFF  }
0xc5: {  	_ =	shalt  }
tec
execute0_lowered:
.L_overlay_start_1:
0x0: {  	(tag) =	ssettag $0x1  }
0x1: {  	s1 =	rddreg [dreg:$0x0]  }
0x2: {  	s0 =	rddreg [dreg:$0x1]  }
0x3: {  	s2 =	rddreg [dreg:$0x2]  }
0x4: {  	s3 =	srdreg.scid;
	s5 =	stileid.u32  }
0x5: {  	s9 =	simm.s32 $0x2;
	s19 =	simm.s32 $0x1;
	s21 =	simm.s32 $0x880  }
0x6: {  	s22 =	simm.s32 $0x1080;
	s23 =	simm.s32 $0x1880;
	s24 =	simm.s32 $0x2080  }
0x7: {  	s28 =	simm.s32 $0x3880;
	s29 =	simm.s32 $0x4080;
	s30 =	simm.s32 $0x4880  }
0x8: {  	s31 =	simm.s32 $0x5080;
	s11 =	simm.s32 $0x6880;
	s12 =	simm.s32 $0x7080  }
0x9: {  	s13 =	simm.s32 $0x7880;
	s14 =	simm.s32 $0x8880;
	s15 =	simm.s32 $0x9080  }
0xa: {  	s16 =	simm.s32 $0x9880;
	s17 =	simm.s32 $0xA080;
	s18 =	simm.s32 $0xA880  }
0xb: {  	s10 =	simm.s32 $0xB080;
	s4 =	sand.u32 $0x1, s3;
	s3 =	simm.s32 $0x0  }
0xc: {  	s5 =	sshll.u32 s5, $0x8;
	s6 =	sshll.u32 s4, $0x7;
	[smem:$0x7FF] =	sst s3  }
0xd: {  	s4 =	ssub.s32 $0x2, s4;
	s5 =	sor.u32 s6, s5;
	_ =	strace $0x80000047  }
0xe: {  	s25 =	sshrl.u32 s4, $0x1;
	s6 =	sadd.s32 $0x200, s1;
	s7 =	sshrl.u32 s5, $0x3  }
0xf: {  	s8 =	ssub.s32 s4, s25;
	s5 =	sshll.u32 s5, $0x7;
	s4 =	sadd.s32 $0x100, s1  }
0x10: {  	s25 =	simm.s32 $0x2880;
	s0 =	sadd.s32 s0, s7;
	s26 =	sadd.s32 s2, s5  }
0x11: {  	v2 =	vlaneseq.u32;
	s7 =	sadd.s32 $0x300, s1;
	s8 =	smax.u32 s8, $0x1;
	[dreg:$0x4] =	wrdreg s0  }
0x12: {  	vm0 =	vmmov $0xffff;
	v1 =	vshrl.u32 v2, $0x3;
	s5 =	simm.s32 $0x8080;
	[dreg:$0x6] =	wrdreg s26;
	s0 =	sadd.s32 $0x2000, s26  }
0x13: {  	v0 =	vand.u32 $0x7, v2;
	v2 =	vor.u32 $0x8, v2;
	v1 =	vmul.u32 $0x8, v1;
	s26 =	simm.s32 $0x3080;
	[dreg:$0x5] =	wrdreg s0;
	s0 =	simm.s32 $0x80  }
.LBB2_1:
0x14: {  	s20 =	rddreg [dreg:$0x4]  }
0x15: {  	[tilespmem:s3], [sflag:$0x2] =	stream.linear.gather [hbm4b:s20+s3], $0x80, $0x38;
	[tilespmem:$0x10080] =	vst v63  }
0x16: {  	_ =	swait.ge [sflag:s9], $0x80  }
0x17: {  	[sflag:s9] =	ssyncset.done $0x0  }
0x18: {  	[sflag:s9] =	ssyncadd.s32 $0xFFFFFF80  }
0x19: {  	v3 =	vld [tilespmem:$0x0];
	_ =	sdelay $0x4  }
0x1a: {  	v4 =	vshll.u32 v3, $0x3  }
0x1b: {  	v3 =	vand.u32 $0x7, v3;
	v4 =	vand.u32 $0xFFFFFFC0, v4  }
0x1c: {  	v3 =	vor.u32 v3, v4  }
0x1d: {  	v4 =	vperm.xlane v3, v0;
	_ =	sdelay $0x1  }
0x1e: {  	v4 =	vadd.s32 v1, v4;
	_ =	sdelay $0x4  }
0x1f: {  	[tilespmem:s0], [sflag:$0x1] =	stream.indirect_vreg.gather [hbm4b:s1+s3], $0x80, v4, vm0, $0xb8;
	[tilespmem:$0x10080] =	vst v63  }
0x20: {  	v3 =	vperm.xlane v3, v2  }
0x21: {  	[tilespmem:s21], [sflag:$0x1] =	stream.indirect_vreg.gather [hbm4b:s4+s3], $0x80, v4, vm0, $0xb8;
	[tilespmem:$0x10080] =	vst v63  }
0x22: {  	v3 =	vadd.s32 v1, v3  }
0x23: {  	[tilespmem:s22], [sflag:$0x1] =	stream.indirect_vreg.gather [hbm4b:s6+s3], $0x80, v4, vm0, $0xb8;
	[tilespmem:$0x10080] =	vst v63  }
0x24: {  	_ = 	snop  }
0x25: {  	[tilespmem:s23], [sflag:$0x1] =	stream.indirect_vreg.gather [hbm4b:s7+s3], $0x80, v4, vm0, $0xb8;
	[tilespmem:$0x10080] =	vst v63  }
0x26: {  	_ = 	snop  }
0x27: {  	[tilespmem:s24], [sflag:$0x1] =	stream.indirect_vreg.gather [hbm4b:s1+s3], $0x80, v3, vm0, $0xb8;
	[tilespmem:$0x10080] =	vst v63  }
0x28: {  	_ = 	snop  }
0x29: {  	[tilespmem:s25], [sflag:$0x1] =	stream.indirect_vreg.gather [hbm4b:s4+s3], $0x80, v3, vm0, $0xb8;
	[tilespmem:$0x10080] =	vst v63  }
0x2a: {  	_ = 	snop  }
0x2b: {  	[tilespmem:s26], [sflag:$0x1] =	stream.indirect_vreg.gather [hbm4b:s6+s3], $0x80, v3, vm0, $0xb8;
	[tilespmem:$0x10080] =	vst v63  }
0x2c: {  	_ = 	snop  }
0x2d: {  	[tilespmem:s28], [sflag:$0x1] =	stream.indirect_vreg.gather [hbm4b:s7+s3], $0x80, v3, vm0, $0xb8;
	[tilespmem:$0x10080] =	vst v63  }
0x2e: {  	v3 =	vld [tilespmem:$0x10];
	_ =	sdelay $0x4  }
0x2f: {  	v57 =	vshll.u32 v3, $0x3  }
0x30: {  	v3 =	vand.u32 $0x7, v3;
	v4 =	vand.u32 $0xFFFFFFC0, v57  }
0x31: {  	v3 =	vor.u32 v3, v4  }
0x32: {  	v4 =	vperm.xlane v3, v0;
	_ =	sdelay $0x1  }
0x33: {  	v4 =	vadd.s32 v1, v4;
	_ =	sdelay $0x4  }
0x34: {  	[tilespmem:s29], [sflag:$0x1] =	stream.indirect_vreg.gather [hbm4b:s1+s3], $0x80, v4, vm0, $0xb8;
	[tilespmem:$0x10080] =	vst v63  }
0x35: {  	v3 =	vperm.xlane v3, v2  }
0x36: {  	[tilespmem:s30], [sflag:$0x1] =	stream.indirect_vreg.gather [hbm4b:s4+s3], $0x80, v4, vm0, $0xb8;
	[tilespmem:$0x10080] =	vst v63  }
0x37: {  	v3 =	vadd.s32 v1, v3  }
0x38: {  	[tilespmem:s31], [sflag:$0x1] =	stream.indirect_vreg.gather [hbm4b:s6+s3], $0x80, v4, vm0, $0xb8;
	[tilespmem:$0x10080] =	vst v63  }
0x39: {  	s2 =	simm.s32 $0x5880  }
0x3a: {  	[tilespmem:s2], [sflag:$0x1] =	stream.indirect_vreg.gather [hbm4b:s7+s3], $0x80, v4, vm0, $0xb8;
	[tilespmem:$0x10080] =	vst v63  }
0x3b: {  	s2 =	simm.s32 $0x6080  }
0x3c: {  	[tilespmem:s2], [sflag:$0x1] =	stream.indirect_vreg.gather [hbm4b:s1+s3], $0x80, v3, vm0, $0xb8;
	[tilespmem:$0x10080] =	vst v63  }
0x3d: {  	_ = 	snop  }
0x3e: {  	[tilespmem:s11], [sflag:$0x1] =	stream.indirect_vreg.gather [hbm4b:s4+s3], $0x80, v3, vm0, $0xb8;
	[tilespmem:$0x10080] =	vst v63  }
0x3f: {  	_ = 	snop  }
0x40: {  	[tilespmem:s12], [sflag:$0x1] =	stream.indirect_vreg.gather [hbm4b:s6+s3], $0x80, v3, vm0, $0xb8;
	[tilespmem:$0x10080] =	vst v63  }
0x41: {  	_ = 	snop  }
0x42: {  	[tilespmem:s13], [sflag:$0x1] =	stream.indirect_vreg.gather [hbm4b:s7+s3], $0x80, v3, vm0, $0xb8;
	[tilespmem:$0x10080] =	vst v63  }
0x43: {  	v3 =	vld [tilespmem:$0x20];
	_ =	sdelay $0x4  }
0x44: {  	v58 =	vshll.u32 v3, $0x3  }
0x45: {  	v3 =	vand.u32 $0x7, v3;
	v4 =	vand.u32 $0xFFFFFFC0, v58  }
0x46: {  	v3 =	vor.u32 v3, v4  }
0x47: {  	v4 =	vperm.xlane v3, v0;
	_ =	sdelay $0x1  }
0x48: {  	v4 =	vadd.s32 v1, v4;
	_ =	sdelay $0x4  }
0x49: {  	[tilespmem:s5], [sflag:$0x1] =	stream.indirect_vreg.gather [hbm4b:s1+s3], $0x80, v4, vm0, $0xb8;
	[tilespmem:$0x10080] =	vst v63  }
0x4a: {  	v3 =	vperm.xlane v3, v2  }
0x4b: {  	[tilespmem:s14], [sflag:$0x1] =	stream.indirect_vreg.gather [hbm4b:s4+s3], $0x80, v4, vm0, $0xb8;
	[tilespmem:$0x10080] =	vst v63  }
0x4c: {  	v3 =	vadd.s32 v1, v3  }
0x4d: {  	[tilespmem:s15], [sflag:$0x1] =	stream.indirect_vreg.gather [hbm4b:s6+s3], $0x80, v4, vm0, $0xb8;
	[tilespmem:$0x10080] =	vst v63  }
0x4e: {  	_ = 	snop  }
0x4f: {  	[tilespmem:s16], [sflag:$0x1] =	stream.indirect_vreg.gather [hbm4b:s7+s3], $0x80, v4, vm0, $0xb8;
	[tilespmem:$0x10080] =	vst v63  }
0x50: {  	_ = 	snop  }
0x51: {  	[tilespmem:s17], [sflag:$0x1] =	stream.indirect_vreg.gather [hbm4b:s1+s3], $0x80, v3, vm0, $0xb8;
	[tilespmem:$0x10080] =	vst v63  }
0x52: {  	_ = 	snop  }
0x53: {  	[tilespmem:s18], [sflag:$0x1] =	stream.indirect_vreg.gather [hbm4b:s4+s3], $0x80, v3, vm0, $0xb8;
	[tilespmem:$0x10080] =	vst v63  }
0x54: {  	_ = 	snop  }
0x55: {  	[tilespmem:s10], [sflag:$0x1] =	stream.indirect_vreg.gather [hbm4b:s6+s3], $0x80, v3, vm0, $0xb8;
	[tilespmem:$0x10080] =	vst v63  }
0x56: {  	s20 =	simm.s32 $0xB880  }
0x57: {  	[tilespmem:s20], [sflag:$0x1] =	stream.indirect_vreg.gather [hbm4b:s7+s3], $0x80, v3, vm0, $0xb8;
	[tilespmem:$0x10080] =	vst v63  }
0x58: {  	v3 =	vld [tilespmem:$0x30];
	_ =	sdelay $0x4  }
0x59: {  	v59 =	vshll.u32 v3, $0x3  }
0x5a: {  	v3 =	vand.u32 $0x7, v3;
	v4 =	vand.u32 $0xFFFFFFC0, v59  }
0x5b: {  	v3 =	vor.u32 v3, v4  }
0x5c: {  	v4 =	vperm.xlane v3, v0;
	_ =	sdelay $0x1  }
0x5d: {  	v4 =	vadd.s32 v1, v4;
	_ =	sdelay $0x3  }
0x5e: {  	s20 =	simm.s32 $0xC080  }
0x5f: {  	[tilespmem:s20], [sflag:$0x1] =	stream.indirect_vreg.gather [hbm4b:s1+s3], $0x80, v4, vm0, $0xb8;
	[tilespmem:$0x10080] =	vst v63  }
0x60: {  	v3 =	vperm.xlane v3, v2;
	s20 =	simm.s32 $0xC880  }
0x61: {  	[tilespmem:s20], [sflag:$0x1] =	stream.indirect_vreg.gather [hbm4b:s4+s3], $0x80, v4, vm0, $0xb8;
	[tilespmem:$0x10080] =	vst v63  }
0x62: {  	v3 =	vadd.s32 v1, v3;
	s20 =	simm.s32 $0xD080  }
0x63: {  	[tilespmem:s20], [sflag:$0x1] =	stream.indirect_vreg.gather [hbm4b:s6+s3], $0x80, v4, vm0, $0xb8;
	[tilespmem:$0x10080] =	vst v63  }
0x64: {  	s20 =	simm.s32 $0xD880  }
0x65: {  	[tilespmem:s20], [sflag:$0x1] =	stream.indirect_vreg.gather [hbm4b:s7+s3], $0x80, v4, vm0, $0xb8;
	[tilespmem:$0x10080] =	vst v63  }
0x66: {  	s20 =	simm.s32 $0xE080  }
0x67: {  	[tilespmem:s20], [sflag:$0x1] =	stream.indirect_vreg.gather [hbm4b:s1+s3], $0x80, v3, vm0, $0xb8;
	[tilespmem:$0x10080] =	vst v63  }
0x68: {  	s20 =	simm.s32 $0xE880  }
0x69: {  	[tilespmem:s20], [sflag:$0x1] =	stream.indirect_vreg.gather [hbm4b:s4+s3], $0x80, v3, vm0, $0xb8;
	[tilespmem:$0x10080] =	vst v63  }
0x6a: {  	s20 =	simm.s32 $0xF080  }
0x6b: {  	[tilespmem:s20], [sflag:$0x1] =	stream.indirect_vreg.gather [hbm4b:s6+s3], $0x80, v3, vm0, $0xb8;
	[tilespmem:$0x10080] =	vst v63  }
0x6c: {  	s20 =	simm.s32 $0xF880  }
0x6d: {  	[tilespmem:s20], [sflag:$0x1] =	stream.indirect_vreg.gather [hbm4b:s7+s3], $0x80, v3, vm0, $0xb8;
	[tilespmem:$0x10080] =	vst v63  }
0x6e: {  	_ =	swait.ge [sflag:s19], $0x10000  }
0x6f: {  	[sflag:s19] =	ssyncset.done $0x0  }
0x70: {  	s20 =	rddreg [dreg:$0x6];
	[sflag:s19] =	ssyncadd.s32 $0xFFFF0000  }
0x71: {  	[hbm4b:s20+s3] =	stream.linear.scatter [tilespmem:s0], [sflag:$0x2], $0x10000, $0x38;
	[tilespmem:$0x10080] =	vst v63  }
0x72: {  	_ =	swait.ge [sflag:s9], $0x10000  }
0x73: {  	[sflag:s9] =	ssyncset.done $0x0  }
0x74: {  	[sflag:s9] =	ssyncadd.s32 $0xFFFF0000  }
0x75: {  	v3 =	vld [tilespmem:$0x40];
	_ =	sdelay $0x4  }
0x76: {  	v60 =	vshll.u32 v3, $0x3  }
0x77: {  	v3 =	vand.u32 $0x7, v3;
	v4 =	vand.u32 $0xFFFFFFC0, v60  }
0x78: {  	v3 =	vor.u32 v3, v4  }
0x79: {  	v4 =	vperm.xlane v3, v0;
	_ =	sdelay $0x1  }
0x7a: {  	v4 =	vadd.s32 v1, v4;
	_ =	sdelay $0x4  }
0x7b: {  	[tilespmem:s0], [sflag:$0x1] =	stream.indirect_vreg.gather [hbm4b:s1+s3], $0x80, v4, vm0, $0xb8;
	[tilespmem:$0x10080] =	vst v63  }
0x7c: {  	v3 =	vperm.xlane v3, v2  }
0x7d: {  	[tilespmem:s21], [sflag:$0x1] =	stream.indirect_vreg.gather [hbm4b:s4+s3], $0x80, v4, vm0, $0xb8;
	[tilespmem:$0x10080] =	vst v63  }
0x7e: {  	v3 =	vadd.s32 v1, v3  }
0x7f: {  	[tilespmem:s22], [sflag:$0x1] =	stream.indirect_vreg.gather [hbm4b:s6+s3], $0x80, v4, vm0, $0xb8;
	[tilespmem:$0x10080] =	vst v63  }
0x80: {  	_ = 	snop  }
0x81: {  	[tilespmem:s23], [sflag:$0x1] =	stream.indirect_vreg.gather [hbm4b:s7+s3], $0x80, v4, vm0, $0xb8;
	[tilespmem:$0x10080] =	vst v63  }
0x82: {  	_ = 	snop  }
0x83: {  	[tilespmem:s24], [sflag:$0x1] =	stream.indirect_vreg.gather [hbm4b:s1+s3], $0x80, v3, vm0, $0xb8;
	[tilespmem:$0x10080] =	vst v63  }
0x84: {  	_ = 	snop  }
0x85: {  	[tilespmem:s25], [sflag:$0x1] =	stream.indirect_vreg.gather [hbm4b:s4+s3], $0x80, v3, vm0, $0xb8;
	[tilespmem:$0x10080] =	vst v63  }
0x86: {  	_ = 	snop  }
0x87: {  	[tilespmem:s26], [sflag:$0x1] =	stream.indirect_vreg.gather [hbm4b:s6+s3], $0x80, v3, vm0, $0xb8;
	[tilespmem:$0x10080] =	vst v63  }
0x88: {  	_ = 	snop  }
0x89: {  	[tilespmem:s28], [sflag:$0x1] =	stream.indirect_vreg.gather [hbm4b:s7+s3], $0x80, v3, vm0, $0xb8;
	[tilespmem:$0x10080] =	vst v63  }
0x8a: {  	v3 =	vld [tilespmem:$0x50];
	_ =	sdelay $0x4  }
0x8b: {  	v61 =	vshll.u32 v3, $0x3  }
0x8c: {  	v3 =	vand.u32 $0x7, v3;
	v4 =	vand.u32 $0xFFFFFFC0, v61  }
0x8d: {  	v3 =	vor.u32 v3, v4  }
0x8e: {  	v4 =	vperm.xlane v3, v0;
	_ =	sdelay $0x1  }
0x8f: {  	v4 =	vadd.s32 v1, v4;
	_ =	sdelay $0x4  }
0x90: {  	[tilespmem:s29], [sflag:$0x1] =	stream.indirect_vreg.gather [hbm4b:s1+s3], $0x80, v4, vm0, $0xb8;
	[tilespmem:$0x10080] =	vst v63  }
0x91: {  	v3 =	vperm.xlane v3, v2  }
0x92: {  	[tilespmem:s30], [sflag:$0x1] =	stream.indirect_vreg.gather [hbm4b:s4+s3], $0x80, v4, vm0, $0xb8;
	[tilespmem:$0x10080] =	vst v63  }
0x93: {  	v3 =	vadd.s32 v1, v3  }
0x94: {  	[tilespmem:s31], [sflag:$0x1] =	stream.indirect_vreg.gather [hbm4b:s6+s3], $0x80, v4, vm0, $0xb8;
	[tilespmem:$0x10080] =	vst v63  }
0x95: {  	s20 =	simm.s32 $0x5880  }
0x96: {  	[tilespmem:s20], [sflag:$0x1] =	stream.indirect_vreg.gather [hbm4b:s7+s3], $0x80, v4, vm0, $0xb8;
	[tilespmem:$0x10080] =	vst v63  }
0x97: {  	_ = 	snop  }
0x98: {  	[tilespmem:s2], [sflag:$0x1] =	stream.indirect_vreg.gather [hbm4b:s1+s3], $0x80, v3, vm0, $0xb8;
	[tilespmem:$0x10080] =	vst v63  }
0x99: {  	_ = 	snop  }
0x9a: {  	[tilespmem:s11], [sflag:$0x1] =	stream.indirect_vreg.gather [hbm4b:s4+s3], $0x80, v3, vm0, $0xb8;
	[tilespmem:$0x10080] =	vst v63  }
0x9b: {  	_ = 	snop  }
0x9c: {  	[tilespmem:s12], [sflag:$0x1] =	stream.indirect_vreg.gather [hbm4b:s6+s3], $0x80, v3, vm0, $0xb8;
	[tilespmem:$0x10080] =	vst v63  }
0x9d: {  	_ = 	snop  }
0x9e: {  	[tilespmem:s13], [sflag:$0x1] =	stream.indirect_vreg.gather [hbm4b:s7+s3], $0x80, v3, vm0, $0xb8;
	[tilespmem:$0x10080] =	vst v63  }
0x9f: {  	v3 =	vld [tilespmem:$0x60];
	_ =	sdelay $0x4  }
0xa0: {  	v62 =	vshll.u32 v3, $0x3  }
0xa1: {  	v3 =	vand.u32 $0x7, v3;
	v4 =	vand.u32 $0xFFFFFFC0, v62  }
0xa2: {  	v3 =	vor.u32 v3, v4  }
0xa3: {  	v4 =	vperm.xlane v3, v0;
	_ =	sdelay $0x1  }
0xa4: {  	v4 =	vadd.s32 v1, v4;
	_ =	sdelay $0x4  }
0xa5: {  	[tilespmem:s5], [sflag:$0x1] =	stream.indirect_vreg.gather [hbm4b:s1+s3], $0x80, v4, vm0, $0xb8;
	[tilespmem:$0x10080] =	vst v63  }
0xa6: {  	v3 =	vperm.xlane v3, v2  }
0xa7: {  	[tilespmem:s14], [sflag:$0x1] =	stream.indirect_vreg.gather [hbm4b:s4+s3], $0x80, v4, vm0, $0xb8;
	[tilespmem:$0x10080] =	vst v63  }
0xa8: {  	v3 =	vadd.s32 v1, v3  }
0xa9: {  	[tilespmem:s15], [sflag:$0x1] =	stream.indirect_vreg.gather [hbm4b:s6+s3], $0x80, v4, vm0, $0xb8;
	[tilespmem:$0x10080] =	vst v63  }
0xaa: {  	_ = 	snop  }
0xab: {  	[tilespmem:s16], [sflag:$0x1] =	stream.indirect_vreg.gather [hbm4b:s7+s3], $0x80, v4, vm0, $0xb8;
	[tilespmem:$0x10080] =	vst v63  }
0xac: {  	_ = 	snop  }
0xad: {  	[tilespmem:s17], [sflag:$0x1] =	stream.indirect_vreg.gather [hbm4b:s1+s3], $0x80, v3, vm0, $0xb8;
	[tilespmem:$0x10080] =	vst v63  }
0xae: {  	_ = 	snop  }
0xaf: {  	[tilespmem:s18], [sflag:$0x1] =	stream.indirect_vreg.gather [hbm4b:s4+s3], $0x80, v3, vm0, $0xb8;
	[tilespmem:$0x10080] =	vst v63  }
0xb0: {  	_ = 	snop  }
0xb1: {  	[tilespmem:s10], [sflag:$0x1] =	stream.indirect_vreg.gather [hbm4b:s6+s3], $0x80, v3, vm0, $0xb8;
	[tilespmem:$0x10080] =	vst v63  }
0xb2: {  	s20 =	simm.s32 $0xB880  }
0xb3: {  	[tilespmem:s20], [sflag:$0x1] =	stream.indirect_vreg.gather [hbm4b:s7+s3], $0x80, v3, vm0, $0xb8;
	[tilespmem:$0x10080] =	vst v63  }
0xb4: {  	v3 =	vld [tilespmem:$0x70];
	_ =	sdelay $0x4  }
0xb5: {  	v63 =	vshll.u32 v3, $0x3  }
0xb6: {  	v3 =	vand.u32 $0x7, v3;
	v4 =	vand.u32 $0xFFFFFFC0, v63  }
0xb7: {  	v3 =	vor.u32 v3, v4  }
0xb8: {  	v4 =	vperm.xlane v3, v0;
	_ =	sdelay $0x1  }
0xb9: {  	v4 =	vadd.s32 v1, v4;
	_ =	sdelay $0x3  }
0xba: {  	s20 =	simm.s32 $0xC080  }
0xbb: {  	[tilespmem:s20], [sflag:$0x1] =	stream.indirect_vreg.gather [hbm4b:s1+s3], $0x80, v4, vm0, $0xb8;
	[tilespmem:$0x10080] =	vst v63  }
0xbc: {  	v3 =	vperm.xlane v3, v2;
	s20 =	simm.s32 $0xC880  }
0xbd: {  	[tilespmem:s20], [sflag:$0x1] =	stream.indirect_vreg.gather [hbm4b:s4+s3], $0x80, v4, vm0, $0xb8;
	[tilespmem:$0x10080] =	vst v63  }
0xbe: {  	v3 =	vadd.s32 v1, v3;
	s20 =	simm.s32 $0xD080  }
0xbf: {  	[tilespmem:s20], [sflag:$0x1] =	stream.indirect_vreg.gather [hbm4b:s6+s3], $0x80, v4, vm0, $0xb8;
	[tilespmem:$0x10080] =	vst v63  }
0xc0: {  	s20 =	simm.s32 $0xD880  }
0xc1: {  	[tilespmem:s20], [sflag:$0x1] =	stream.indirect_vreg.gather [hbm4b:s7+s3], $0x80, v4, vm0, $0xb8;
	[tilespmem:$0x10080] =	vst v63  }
0xc2: {  	s20 =	simm.s32 $0xE080  }
0xc3: {  	[tilespmem:s20], [sflag:$0x1] =	stream.indirect_vreg.gather [hbm4b:s1+s3], $0x80, v3, vm0, $0xb8;
	[tilespmem:$0x10080] =	vst v63  }
0xc4: {  	s20 =	simm.s32 $0xE880  }
0xc5: {  	[tilespmem:s20], [sflag:$0x1] =	stream.indirect_vreg.gather [hbm4b:s4+s3], $0x80, v3, vm0, $0xb8;
	[tilespmem:$0x10080] =	vst v63  }
0xc6: {  	s20 =	simm.s32 $0xF080  }
0xc7: {  	[tilespmem:s20], [sflag:$0x1] =	stream.indirect_vreg.gather [hbm4b:s6+s3], $0x80, v3, vm0, $0xb8;
	[tilespmem:$0x10080] =	vst v63  }
0xc8: {  	s20 =	simm.s32 $0xF880  }
0xc9: {  	[tilespmem:s20], [sflag:$0x1] =	stream.indirect_vreg.gather [hbm4b:s7+s3], $0x80, v3, vm0, $0xb8;
	[tilespmem:$0x10080] =	vst v63  }
0xca: {  	_ =	swait.ge [sflag:s19], $0x10000  }
0xcb: {  	p0 =	sne.s32 s8, $0x1;
	[sflag:s19] =	ssyncset.done $0x0  }
.Ltmp0:
0xcc: {  	s2 =	rddreg [dreg:$0x5];
	[sflag:s19] =	ssyncadd.s32 $0xFFFF0000;
	(pc) =	sbr.rel @p0 .LBB2_1-.Ltmp0, $4  }
0xcd: {  	[hbm4b:s2+s3] =	stream.linear.scatter [tilespmem:s0], [sflag:$0x2], $0x10000, $0x38;
	[tilespmem:$0x10080] =	vst v63  }
0xce: {  	_ =	swait.ge [sflag:s9], $0x10000  }
0xcf: {  	[sflag:s9] =	ssyncset.done $0x0  }
0xd0: {  	s8 =	sadd.s32 $0xFFFFFFFF, s8;
	[sflag:s9] =	ssyncadd.s32 $0xFFFF0000  }
0xd1: {  	_ =	sfence.sel $0x180000  }
0xd2: {  	[bflag:$0x0] =	sbarrier.arrive $0xFFFF  }
0xd3: {  	_ =	strace $0x90000047  }
0xd4: {  	s0 =	stileid.u32;
	[bflag:$0x2] =	sbarrier.arrive $0xFFFF  }
0xd5: {  	p0 =	sne.s32 s0, $0x0;
	s0 =	rddreg [dreg:$0x3]  }
0xd6: {  	s0 =	sadd.s32 @!p0 $0x100000, s0  }
0xd7: {  	[sflag:s0] =	ssyncadd.tile.s32 @!p0 $0x1;
	_ =	shalt  }
.Lfunc_end2:
_tile_overlayer_lowered:
.L_overlay_start_2:
0xd8: {  	(tag) =	ssettag $0x2  }
0xd9: {  	s0 =	rddreg [dreg:$0x0];
	s2 =	stileid.u32  }
0xda: {  	s1 =	rddreg [dreg:$0x1];
	p0 =	sne.s32 s2, $0x0  }
0xdb: {  	s3 =	rddreg [dreg:$0x2];
	[bflag:$0x3] =	sbarrier.arrive $0xFFFF;
	s2 =	simm.s32 @!p0 $0x1C02  }
0xdc: {  	[timem:s3], [sflag:s2] =	dma.local @!p0 [hbm:s0], s1  }
0xdd: {  	s0 =	simm.s32 @!p0 $0x2  }
0xde: {  	_ =	swait.ge @!p0 [sflag:s0], s1  }
0xdf: {  	s1 =	ssub.s32 @!p0 $0x0, s1;
	[sflag:s0] =	ssyncset.done @!p0 $0x0  }
0xe0: {  	[sflag:s0] =	ssyncadd.s32 @!p0 s1  }
0xe1: {  	[bflag:$0x3] =	sbarrier.arrive $0xFFFF  }
0xe2: {  	_ =	shalt  }

// kernel: kernel.8.cloned.1.call-start
scs
__scs_entry_jumppad:
0x0: {  	(pc) =	sbr.rel $0x88, $3  }
0x1: {  	(tag) =	ssettag $0x0;
	lr =	simm.s32 $0x1  }
0x2: {  	[smem:$0x3F9C] =	sst lr;
	_ =	strace $0xD0000000  }
0x3: {  	_ = 	snop  }
0x4: {  	_ = 	snop  }
0x5: {  	_ = 	snop  }
0x6: {  	_ = 	snop  }
0x7: {  	_ = 	snop  }
__scs_overlays_trampoline_lowered:
0x8: {  	[smem:$0x3FAB] =	sst s0  }
0x9: {  	[smem:$0x3FAC] =	sst s1  }
0xa: {  	[smem:$0x3FAD] =	sst s2  }
0xb: {  	[smem:$0x3FAE] =	sst s3  }
0xc: {  	[smem:$0x3FAF] =	sst s4  }
0xd: {  	[smem:$0x3FB0] =	sst s5  }
0xe: {  	[smem:$0x3FB1] =	sst s6  }
0xf: {  	[smem:$0x3FB2] =	sst s7  }
0x10: {  	[smem:$0x3FB3] =	sst s8  }
0x11: {  	[smem:$0x3FB4] =	sst s9;
	s0 =	simm.s32 @!p0 $0x0  }
0x12: {  	s1 =	sld [smem:$0x3F9A];
	s0 =	simm.s32 @p0 $0x1  }
0x13: {  	[smem:$0x3FB5] =	sst s0;
	s0 =	simm.s32 @!p1 $0x0  }
0x14: {  	s2 =	sld [smem:$0x3F99];
	s0 =	simm.s32 @p1 $0x1  }
0x15: {  	[smem:$0x3FB6] =	sst s0;
	s0 =	simm.s32 @!p2 $0x0  }
0x16: {  	s3 =	sld [smem:$0x3FDB];
	s0 =	simm.s32 @p2 $0x1  }
0x17: {  	s4 =	simm.s32 $0x1BF5;
	[smem:$0x3FB8] =	sst s0  }
0x18: {  	s0 =	sld [smem:$0x3F9B];
	_ =	swait.ge [sflag:s4], $0x0  }
0x19: {  	s7 =	sld [smem:$0x3F9C]  }
0x1a: {  	s8 =	sadd.s32 $0xFFFFE003, lr  }
0x1b: {  	s9 =	sadd.s32 $0xFFFFFEF7, lr;
	s5 =	simm.s32 $0xFFFFFFFF;
	p2 =	slt.u32 s8, $0xFFFFF086  }
0x1c: {  	p1 =	slt.u32 s9, $0xF7A;
	s5 =	simm.s32 @!p2 $0x0  }
0x1d: {  	s5 =	simm.s32 @p1 $0x1;
	p0 =	seq.s32 s7, s2  }
0x1e: {  	s7 =	smul.u32 @!p0 $0xF7A, s2;
	p2 =	seq.s32 @!p0 s5, $0x0  }
0x1f: {  	s9 =	smul.u32 $0xF7A, s1;
	s8 =	simm.s32 @!p0 $0x1BF5;
	p2 =	por !p2, p0  }
0x20: {  	[sflag:s8] =	ssyncset.s32 @!p0 $0xFFFFF086;
	s6 =	sadd.s32 @!p0 s3, s7;
	s7 =	simm.s32 @!p0 $0x108  }
0x21: {  	s3 =	sadd.s32 s3, s9;
	s6 =	sadd.s32 @!p0 $0x88, s6;
	s7 =	simm.s32 @p2 $0x1082  }
0x22: {  	[simem:s7], [sflag:s8] =	dma.local @!p0 [hbm:s6], $0xF7A  }
0x23: {  	s9 =	sor.u32 $0xD0000000, s2;
	s6 =	simm.s32 $0x108;
	_ =	swait.ge @!p0 [sflag:s8], $0x0  }
0x24: {  	s3 =	sadd.s32 $0x88, s3;
	s6 =	simm.s32 @!p1 $0x1082;
	[sflag:s4] =	ssyncset.s32 $0xFFFFF086  }
0x25: {  	[simem:s6], [sflag:s4] =	dma.local [hbm:s3], $0xF7A  }
0x26: {  	[smem:$0x3F9C] =	sst s1;
	(tag) =	ssettag s2;
	_ =	strace s9  }
0x27: {  	s1 =	sld [smem:$0x3FAC]  }
0x28: {  	s2 =	sld [smem:$0x3FAD]  }
0x29: {  	s4 =	sld [smem:$0x3FAF]  }
0x2a: {  	p0 =	seq.s32 s5, $0x0;
	s5 =	sld [smem:$0x3FB0]  }
0x2b: {  	s6 =	sld [smem:$0x3FB1]  }
0x2c: {  	s7 =	sld [smem:$0x3FB2]  }
0x2d: {  	s3 =	simm.s32 $0x108;
	s8 =	sld [smem:$0x3FB3]  }
0x2e: {  	s3 =	simm.s32 @!p0 $0x1082;
	s9 =	sld [smem:$0x3FB4]  }
0x2f: {  	lr =	sadd.s32 s0, s3;
	s0 =	sld [smem:$0x3FAB]  }
0x30: {  	s3 =	sld [smem:$0x3FAE]  }
0x31: {  	[smem:$0x3FB7] =	sst s10  }
0x32: {  	s10 =	sld [smem:$0x3FB5];
	_ =	sdelay $0x3  }
0x33: {  	p0 =	seq.s32 s10, $0x1;
	s10 =	sld [smem:$0x3FB7];
	_ =	sdelay $0x3  }
0x34: {  	[smem:$0x3FB7] =	sst s10  }
0x35: {  	s10 =	sld [smem:$0x3FB6];
	_ =	sdelay $0x3  }
0x36: {  	p1 =	seq.s32 s10, $0x1;
	s10 =	sld [smem:$0x3FB7];
	_ =	sdelay $0x3  }
0x37: {  	[smem:$0x3FB7] =	sst s10  }
0x38: {  	s10 =	sld [smem:$0x3FB8]  }
0x39: {  	_ = 	snop;
	(pc) =	sbr.ind lr, $3  }
0x3a: {  	_ = 	snop  }
0x3b: {  	_ = 	snop  }
0x3c: {  	p2 =	seq.s32 s10, $0x1;
	s10 =	sld [smem:$0x3FB7]  }
0x3d: {  	_ =	shalt  }
0x3e: {  	_ =	shalt  }
0x3f: {  	_ =	shalt  }
0x40: {  	_ =	shalt  }
0x41: {  	_ =	shalt  }
0x42: {  	_ =	shalt  }
0x43: {  	_ =	shalt  }
0x44: {  	_ =	shalt  }
0x45: {  	_ =	shalt  }
0x46: {  	_ =	shalt  }
0x47: {  	_ =	shalt  }
0x48: {  	_ =	shalt  }
0x49: {  	_ =	shalt  }
0x4a: {  	_ =	shalt  }
0x4b: {  	_ =	shalt  }
0x4c: {  	_ =	shalt  }
0x4d: {  	_ =	shalt  }
0x4e: {  	_ =	shalt  }
0x4f: {  	_ =	shalt  }
0x50: {  	_ =	shalt  }
0x51: {  	_ =	shalt  }
0x52: {  	_ =	shalt  }
0x53: {  	_ =	shalt  }
0x54: {  	_ =	shalt  }
0x55: {  	_ =	shalt  }
0x56: {  	_ =	shalt  }
0x57: {  	_ =	shalt  }
0x58: {  	_ =	shalt  }
0x59: {  	_ =	shalt  }
0x5a: {  	_ =	shalt  }
0x5b: {  	_ =	shalt  }
0x5c: {  	_ =	shalt  }
0x5d: {  	_ =	shalt  }
0x5e: {  	_ =	shalt  }
0x5f: {  	_ =	shalt  }
0x60: {  	_ =	shalt  }
0x61: {  	_ =	shalt  }
0x62: {  	_ =	shalt  }
0x63: {  	_ =	shalt  }
0x64: {  	_ =	shalt  }
0x65: {  	_ =	shalt  }
0x66: {  	_ =	shalt  }
0x67: {  	_ =	shalt  }
0x68: {  	_ =	shalt  }
0x69: {  	_ =	shalt  }
0x6a: {  	_ =	shalt  }
0x6b: {  	_ =	shalt  }
0x6c: {  	_ =	shalt  }
0x6d: {  	_ =	shalt  }
0x6e: {  	_ =	shalt  }
0x6f: {  	_ =	shalt  }
0x70: {  	_ =	shalt  }
0x71: {  	_ =	shalt  }
0x72: {  	_ =	shalt  }
0x73: {  	_ =	shalt  }
0x74: {  	_ =	shalt  }
0x75: {  	_ =	shalt  }
0x76: {  	_ =	shalt  }
0x77: {  	_ =	shalt  }
0x78: {  	_ =	shalt  }
0x79: {  	_ =	shalt  }
0x7a: {  	_ =	shalt  }
0x7b: {  	_ =	shalt  }
0x7c: {  	_ =	shalt  }
0x7d: {  	_ =	shalt  }
0x7e: {  	_ =	shalt  }
0x7f: {  	_ =	shalt  }
0x80: {  	_ =	shalt  }
0x81: {  	_ =	shalt  }
0x82: {  	_ =	shalt  }
0x83: {  	_ =	shalt  }
0x84: {  	_ =	shalt  }
0x85: {  	_ =	shalt  }
0x86: {  	_ =	shalt  }
0x87: {  	_ =	shalt  }
.Lfunc_end0:
.L_simem_size_0:
called_computation.1_lowered:
.L_overlay_start_0:
0x88: {  	s2 =	sld [smem:$0x3FD9]  }
0x89: {  	s3 =	sld [smem:$0x3FFE];
	_ =	sdelay $0x1  }
0x8a: {  	s1 =	srdreg.scid  }
0x8b: {  	s0 =	sand.u32 $0x1, s1  }
0x8c: {  	s17 =	sshll.u32 s0, $0xA;
	s2 =	sadd.s32 s3, s2  }
0x8d: {  	s2 =	sadd.s32 s2, s17  }
0x8e: {  	[smem:$0x3FC3] =	sst s2  }
0x8f: {  	_ = 	snop  }
0x90: {  	s2 =	sld [smem:$0x3FD0];
	(tm) =	ssettm $0x1  }
0x91: {  	s18 =	sld [smem:$0x3FFB];
	_ =	sdelay $0x3  }
0x92: {  	_ =	strace s18  }
0x93: {  	s3 =	sld [smem:$0x3FFC];
	_ =	sdelay $0x3  }
0x94: {  	_ =	strace s3  }
0x95: {  	s3 =	sld [smem:$0x3FFD];
	_ =	sdelay $0x3  }
0x96: {  	_ =	strace s3  }
0x97: {  	_ =	strace $0x8FFFFFFF  }
0x98: {  	s19 =	sld [smem:$0x3FDB];
	_ =	sdelay $0x1  }
0x99: {  	s4 =	simm.s32 $_scs_section_size  }
0x9a: {  	s5 =	simm.s32 $_size__tile_overlayer_lowered;
	s6 =	simm.s32 $_tile_overlayer_lowered  }
0x9b: {  	s22 =	simm.s32 $0x1BFF;
	s21 =	sshll.u32 s6, $0x1;
	s3 =	sadd.s32 s4, s19  }
0x9c: {  	s7 =	simm.s32 $0x0;
	s20 =	sshll.u32 s5, $0x1;
	s5 =	sadd.s32 s21, s3  }
0x9d: {  	[timem:s7], [sflag:s22] =	dma.local [hbm:s5], s20  }
0x9e: {  	_ =	swait.ge [sflag:s22], s20  }
0x9f: {  	s4 =	ssub.s32 $0x0, s20;
	[sflag:s22] =	ssyncset.done $0x0  }
0xa0: {  	[sflag:s22] =	ssyncadd.s32 s4;
	_ =	sdelay $0x1  }
0xa1: {  	s23 =	simm.s32 $0x1B8B  }
0xa2: {  	_ =	swait.ge [sflag:s23], $0x1  }
0xa3: {  	[sflag:s23] =	ssyncset.done $0x0  }
0xa4: {  	s25 =	simm.s32 $0x1B8E;
	s24 =	sld [smem:$0x3FFE];
	[sflag:s23] =	ssyncadd.s32 $0xFFFFFFFF  }
0xa5: {  	s26 =	simm.s32 $execute0_lowered;
	[smem:$0x3FD2] =	sst s25  }
0xa6: {  	s5 =	sshll.u32 s26, $0x1;
	_ =	strace $0x80000049;
	[dreg:$0x1] =	wrdreg $0xFFFFFFFF  }
0xa7: {  	s28 =	simm.s32 $_size_execute0_lowered;
	s3 =	sadd.s32 s3, s5;
	[dreg:$0x0] =	wrdreg $0x0  }
0xa8: {  	s5 =	sshll.u32 s28, $0x1;
	[dreg:$0x2] =	wrdreg s3  }
0xa9: {  	[dreg:$0x3] =	wrdreg s5  }
0xaa: {  	[dreg:$0x4] =	wrdreg $0xC0  }
0xab: {  	_ =	task [dreg:s7], $0x5FFFF  }
0xac: {  	[dreg:$0x1] =	wrdreg $0xFFFFFFFF  }
0xad: {  	[dreg:$0x0] =	wrdreg $0x60  }
0xae: {  	[dreg:$0x2] =	wrdreg s24  }
0xaf: {  	[dreg:$0x3] =	wrdreg s2  }
0xb0: {  	[dreg:$0x4] =	wrdreg $0x9  }
0xb1: {  	_ =	task.clear_ibuf [dreg:s7], $0x5FFFF;
	_ =	strace $0x90000049  }
0xb2: {  	s29 =	simm.s32 $0x9;
	_ =	strace $0x8000004B  }
0xb3: {  	_ =	swait.ge [sflag:s29], $0x1  }
0xb4: {  	[sflag:s29] =	ssyncadd.s32 $0xFFFFFFFF  }
0xb5: {  	_ =	strace $0x9000004B  }
0xb6: {  	_ =	sfence  }
0xb7: {  	s30 =	sld [smem:$0x0];
	_ =	sdelay $0x2  }
0xb8: {  	s31 =	sshll.u32 s1, $0xD;
	s1 =	sshrl.u32 s1, $0x2  }
0xb9: {  	s3 =	sand.u32 $0x4000, s31;
	s1 =	sadd.s32 s1, s30  }
0xba: {  	s0 =	sor.u32 s3, s0;
	s1 =	sshll.u32 s1, $0x11  }
0xbb: {  	s0 =	sor.u32 s1, s0  }
0xbc: {  	s0 =	sadd.s32 $0x8F2B, s0  }
0xbd: {  	[sflag:s0] =	ssyncadd.remote.s32 $0x1  }
0xbe: {  	_ =	sfence.sel $0xFFFF  }
0xbf: {  	[dreg:$0x0] =	wrdreg $0xFFFFFFFF;
	(pc) =	sbr.abs _section_cstart, $3  }
0xc0: {  	[dreg:$0x1] =	wrdreg $0xFFFFFFFF  }
0xc1: {  	_ =	task.clear_ibuf [dreg:s7], $0x2FFFF;
	_ =	strace $0x9FFFFFFF  }
0xc2: {  	(tm) =	ssettm $0x7FFFFFFF  }
0xc3: {  	_ =	shalt  }
tec
execute0_lowered:
.L_overlay_start_1:
0x0: {  	(tag) =	ssettag $0x1  }
0x1: {  	s0 =	rddreg [dreg:$0x0]  }
0x2: {  	s1 =	rddreg [dreg:$0x1];
	s2 =	srdreg.scid  }
0x3: {  	s4 =	stileid.u32;
	s9 =	simm.s32 $0x2;
	s19 =	simm.s32 $0x1  }
0x4: {  	s21 =	simm.s32 $0x880;
	s22 =	simm.s32 $0x1080;
	s23 =	simm.s32 $0x1880  }
0x5: {  	s24 =	simm.s32 $0x2080;
	s28 =	simm.s32 $0x3880;
	s29 =	simm.s32 $0x4080  }
0x6: {  	s30 =	simm.s32 $0x4880;
	s31 =	simm.s32 $0x5080;
	s11 =	simm.s32 $0x6880  }
0x7: {  	s12 =	simm.s32 $0x7080;
	s13 =	simm.s32 $0x7880;
	s14 =	simm.s32 $0x8880  }
0x8: {  	s15 =	simm.s32 $0x9080;
	s16 =	simm.s32 $0x9880;
	s17 =	simm.s32 $0xA080  }
0x9: {  	s18 =	simm.s32 $0xA880;
	s10 =	simm.s32 $0xB080;
	s3 =	sand.u32 $0x1, s2  }
0xa: {  	s2 =	simm.s32 $0x0;
	s4 =	sshll.u32 s4, $0x8;
	s5 =	sshll.u32 s3, $0x7  }
0xb: {  	[smem:$0x7FF] =	sst s2;
	s6 =	ssub.s32 $0x2, s3;
	s3 =	sadd.s32 $0x600, s0  }
0xc: {  	s4 =	sor.u32 s5, s4;
	_ =	strace $0x8000004A;
	s7 =	sshrl.u32 s6, $0x1  }
0xd: {  	s5 =	sshrl.u32 s4, $0x3;
	s8 =	ssub.s32 s6, s7;
	s25 =	sshll.u32 s4, $0x7  }
0xe: {  	s4 =	sadd.s32 $0x700, s0;
	s6 =	sadd.s32 $0x800, s0;
	s7 =	sadd.s32 $0x900, s0  }
0xf: {  	s5 =	sadd.s32 s5, s0;
	s1 =	sadd.s32 s1, s25;
	s8 =	smax.u32 s8, $0x1  }
0x10: {  	v2 =	vlaneseq.u32;
	s0 =	simm.s32 $0x80;
	s5 =	sadd.s32 $0x200, s5;
	[dreg:$0x5] =	wrdreg s1  }
0x11: {  	vm0 =	vmmov $0xffff;
	v1 =	vshrl.u32 v2, $0x3;
	s25 =	simm.s32 $0x2880;
	s26 =	sadd.s32 $0x2000, s1;
	[dreg:$0x3] =	wrdreg s5  }
0x12: {  	v0 =	vand.u32 $0x7, v2;
	v2 =	vor.u32 $0x8, v2;
	v1 =	vmul.u32 $0x8, v1;
	[dreg:$0x4] =	wrdreg s26;
	s26 =	simm.s32 $0x3080;
	s5 =	simm.s32 $0x8080  }
.LBB2_1:
0x13: {  	s20 =	rddreg [dreg:$0x3]  }
0x14: {  	[tilespmem:s2], [sflag:$0x2] =	stream.linear.gather [hbm4b:s20+s2], $0x80, $0x38;
	[tilespmem:$0x10080] =	vst v63  }
0x15: {  	_ =	swait.ge [sflag:s9], $0x80  }
0x16: {  	[sflag:s9] =	ssyncset.done $0x0  }
0x17: {  	[sflag:s9] =	ssyncadd.s32 $0xFFFFFF80  }
0x18: {  	v3 =	vld [tilespmem:$0x0];
	_ =	sdelay $0x4  }
0x19: {  	v4 =	vshll.u32 v3, $0x3  }
0x1a: {  	v3 =	vand.u32 $0x7, v3;
	v4 =	vand.u32 $0xFFFFFFC0, v4  }
0x1b: {  	v3 =	vor.u32 v3, v4  }
0x1c: {  	v4 =	vperm.xlane v3, v0;
	_ =	sdelay $0x1  }
0x1d: {  	v4 =	vadd.s32 v1, v4;
	_ =	sdelay $0x4  }
0x1e: {  	[tilespmem:s0], [sflag:$0x1] =	stream.indirect_vreg.gather [hbm4b:s3+s2], $0x80, v4, vm0, $0xb8;
	[tilespmem:$0x10080] =	vst v63  }
0x1f: {  	v3 =	vperm.xlane v3, v2  }
0x20: {  	[tilespmem:s21], [sflag:$0x1] =	stream.indirect_vreg.gather [hbm4b:s4+s2], $0x80, v4, vm0, $0xb8;
	[tilespmem:$0x10080] =	vst v63  }
0x21: {  	v3 =	vadd.s32 v1, v3  }
0x22: {  	[tilespmem:s22], [sflag:$0x1] =	stream.indirect_vreg.gather [hbm4b:s6+s2], $0x80, v4, vm0, $0xb8;
	[tilespmem:$0x10080] =	vst v63  }
0x23: {  	_ = 	snop  }
0x24: {  	[tilespmem:s23], [sflag:$0x1] =	stream.indirect_vreg.gather [hbm4b:s7+s2], $0x80, v4, vm0, $0xb8;
	[tilespmem:$0x10080] =	vst v63  }
0x25: {  	_ = 	snop  }
0x26: {  	[tilespmem:s24], [sflag:$0x1] =	stream.indirect_vreg.gather [hbm4b:s3+s2], $0x80, v3, vm0, $0xb8;
	[tilespmem:$0x10080] =	vst v63  }
0x27: {  	_ = 	snop  }
0x28: {  	[tilespmem:s25], [sflag:$0x1] =	stream.indirect_vreg.gather [hbm4b:s4+s2], $0x80, v3, vm0, $0xb8;
	[tilespmem:$0x10080] =	vst v63  }
0x29: {  	_ = 	snop  }
0x2a: {  	[tilespmem:s26], [sflag:$0x1] =	stream.indirect_vreg.gather [hbm4b:s6+s2], $0x80, v3, vm0, $0xb8;
	[tilespmem:$0x10080] =	vst v63  }
0x2b: {  	_ = 	snop  }
0x2c: {  	[tilespmem:s28], [sflag:$0x1] =	stream.indirect_vreg.gather [hbm4b:s7+s2], $0x80, v3, vm0, $0xb8;
	[tilespmem:$0x10080] =	vst v63  }
0x2d: {  	v3 =	vld [tilespmem:$0x10];
	_ =	sdelay $0x4  }
0x2e: {  	v57 =	vshll.u32 v3, $0x3  }
0x2f: {  	v3 =	vand.u32 $0x7, v3;
	v4 =	vand.u32 $0xFFFFFFC0, v57  }
0x30: {  	v3 =	vor.u32 v3, v4  }
0x31: {  	v4 =	vperm.xlane v3, v0;
	_ =	sdelay $0x1  }
0x32: {  	v4 =	vadd.s32 v1, v4;
	_ =	sdelay $0x4  }
0x33: {  	[tilespmem:s29], [sflag:$0x1] =	stream.indirect_vreg.gather [hbm4b:s3+s2], $0x80, v4, vm0, $0xb8;
	[tilespmem:$0x10080] =	vst v63  }
0x34: {  	v3 =	vperm.xlane v3, v2  }
0x35: {  	[tilespmem:s30], [sflag:$0x1] =	stream.indirect_vreg.gather [hbm4b:s4+s2], $0x80, v4, vm0, $0xb8;
	[tilespmem:$0x10080] =	vst v63  }
0x36: {  	v3 =	vadd.s32 v1, v3  }
0x37: {  	[tilespmem:s31], [sflag:$0x1] =	stream.indirect_vreg.gather [hbm4b:s6+s2], $0x80, v4, vm0, $0xb8;
	[tilespmem:$0x10080] =	vst v63  }
0x38: {  	s1 =	simm.s32 $0x5880  }
0x39: {  	[tilespmem:s1], [sflag:$0x1] =	stream.indirect_vreg.gather [hbm4b:s7+s2], $0x80, v4, vm0, $0xb8;
	[tilespmem:$0x10080] =	vst v63  }
0x3a: {  	s1 =	simm.s32 $0x6080  }
0x3b: {  	[tilespmem:s1], [sflag:$0x1] =	stream.indirect_vreg.gather [hbm4b:s3+s2], $0x80, v3, vm0, $0xb8;
	[tilespmem:$0x10080] =	vst v63  }
0x3c: {  	_ = 	snop  }
0x3d: {  	[tilespmem:s11], [sflag:$0x1] =	stream.indirect_vreg.gather [hbm4b:s4+s2], $0x80, v3, vm0, $0xb8;
	[tilespmem:$0x10080] =	vst v63  }
0x3e: {  	_ = 	snop  }
0x3f: {  	[tilespmem:s12], [sflag:$0x1] =	stream.indirect_vreg.gather [hbm4b:s6+s2], $0x80, v3, vm0, $0xb8;
	[tilespmem:$0x10080] =	vst v63  }
0x40: {  	_ = 	snop  }
0x41: {  	[tilespmem:s13], [sflag:$0x1] =	stream.indirect_vreg.gather [hbm4b:s7+s2], $0x80, v3, vm0, $0xb8;
	[tilespmem:$0x10080] =	vst v63  }
0x42: {  	v3 =	vld [tilespmem:$0x20];
	_ =	sdelay $0x4  }
0x43: {  	v58 =	vshll.u32 v3, $0x3  }
0x44: {  	v3 =	vand.u32 $0x7, v3;
	v4 =	vand.u32 $0xFFFFFFC0, v58  }
0x45: {  	v3 =	vor.u32 v3, v4  }
0x46: {  	v4 =	vperm.xlane v3, v0;
	_ =	sdelay $0x1  }
0x47: {  	v4 =	vadd.s32 v1, v4;
	_ =	sdelay $0x4  }
0x48: {  	[tilespmem:s5], [sflag:$0x1] =	stream.indirect_vreg.gather [hbm4b:s3+s2], $0x80, v4, vm0, $0xb8;
	[tilespmem:$0x10080] =	vst v63  }
0x49: {  	v3 =	vperm.xlane v3, v2  }
0x4a: {  	[tilespmem:s14], [sflag:$0x1] =	stream.indirect_vreg.gather [hbm4b:s4+s2], $0x80, v4, vm0, $0xb8;
	[tilespmem:$0x10080] =	vst v63  }
0x4b: {  	v3 =	vadd.s32 v1, v3  }
0x4c: {  	[tilespmem:s15], [sflag:$0x1] =	stream.indirect_vreg.gather [hbm4b:s6+s2], $0x80, v4, vm0, $0xb8;
	[tilespmem:$0x10080] =	vst v63  }
0x4d: {  	_ = 	snop  }
0x4e: {  	[tilespmem:s16], [sflag:$0x1] =	stream.indirect_vreg.gather [hbm4b:s7+s2], $0x80, v4, vm0, $0xb8;
	[tilespmem:$0x10080] =	vst v63  }
0x4f: {  	_ = 	snop  }
0x50: {  	[tilespmem:s17], [sflag:$0x1] =	stream.indirect_vreg.gather [hbm4b:s3+s2], $0x80, v3, vm0, $0xb8;
	[tilespmem:$0x10080] =	vst v63  }
0x51: {  	_ = 	snop  }
0x52: {  	[tilespmem:s18], [sflag:$0x1] =	stream.indirect_vreg.gather [hbm4b:s4+s2], $0x80, v3, vm0, $0xb8;
	[tilespmem:$0x10080] =	vst v63  }
0x53: {  	_ = 	snop  }
0x54: {  	[tilespmem:s10], [sflag:$0x1] =	stream.indirect_vreg.gather [hbm4b:s6+s2], $0x80, v3, vm0, $0xb8;
	[tilespmem:$0x10080] =	vst v63  }
0x55: {  	s20 =	simm.s32 $0xB880  }
0x56: {  	[tilespmem:s20], [sflag:$0x1] =	stream.indirect_vreg.gather [hbm4b:s7+s2], $0x80, v3, vm0, $0xb8;
	[tilespmem:$0x10080] =	vst v63  }
0x57: {  	v3 =	vld [tilespmem:$0x30];
	_ =	sdelay $0x4  }
0x58: {  	v59 =	vshll.u32 v3, $0x3  }
0x59: {  	v3 =	vand.u32 $0x7, v3;
	v4 =	vand.u32 $0xFFFFFFC0, v59  }
0x5a: {  	v3 =	vor.u32 v3, v4  }
0x5b: {  	v4 =	vperm.xlane v3, v0;
	_ =	sdelay $0x1  }
0x5c: {  	v4 =	vadd.s32 v1, v4;
	_ =	sdelay $0x3  }
0x5d: {  	s20 =	simm.s32 $0xC080  }
0x5e: {  	[tilespmem:s20], [sflag:$0x1] =	stream.indirect_vreg.gather [hbm4b:s3+s2], $0x80, v4, vm0, $0xb8;
	[tilespmem:$0x10080] =	vst v63  }
0x5f: {  	v3 =	vperm.xlane v3, v2;
	s20 =	simm.s32 $0xC880  }
0x60: {  	[tilespmem:s20], [sflag:$0x1] =	stream.indirect_vreg.gather [hbm4b:s4+s2], $0x80, v4, vm0, $0xb8;
	[tilespmem:$0x10080] =	vst v63  }
0x61: {  	v3 =	vadd.s32 v1, v3;
	s20 =	simm.s32 $0xD080  }
0x62: {  	[tilespmem:s20], [sflag:$0x1] =	stream.indirect_vreg.gather [hbm4b:s6+s2], $0x80, v4, vm0, $0xb8;
	[tilespmem:$0x10080] =	vst v63  }
0x63: {  	s20 =	simm.s32 $0xD880  }
0x64: {  	[tilespmem:s20], [sflag:$0x1] =	stream.indirect_vreg.gather [hbm4b:s7+s2], $0x80, v4, vm0, $0xb8;
	[tilespmem:$0x10080] =	vst v63  }
0x65: {  	s20 =	simm.s32 $0xE080  }
0x66: {  	[tilespmem:s20], [sflag:$0x1] =	stream.indirect_vreg.gather [hbm4b:s3+s2], $0x80, v3, vm0, $0xb8;
	[tilespmem:$0x10080] =	vst v63  }
0x67: {  	s20 =	simm.s32 $0xE880  }
0x68: {  	[tilespmem:s20], [sflag:$0x1] =	stream.indirect_vreg.gather [hbm4b:s4+s2], $0x80, v3, vm0, $0xb8;
	[tilespmem:$0x10080] =	vst v63  }
0x69: {  	s20 =	simm.s32 $0xF080  }
0x6a: {  	[tilespmem:s20], [sflag:$0x1] =	stream.indirect_vreg.gather [hbm4b:s6+s2], $0x80, v3, vm0, $0xb8;
	[tilespmem:$0x10080] =	vst v63  }
0x6b: {  	s20 =	simm.s32 $0xF880  }
0x6c: {  	[tilespmem:s20], [sflag:$0x1] =	stream.indirect_vreg.gather [hbm4b:s7+s2], $0x80, v3, vm0, $0xb8;
	[tilespmem:$0x10080] =	vst v63  }
0x6d: {  	_ =	swait.ge [sflag:s19], $0x10000  }
0x6e: {  	[sflag:s19] =	ssyncset.done $0x0  }
0x6f: {  	s20 =	rddreg [dreg:$0x5];
	[sflag:s19] =	ssyncadd.s32 $0xFFFF0000  }
0x70: {  	[hbm4b:s20+s2] =	stream.linear.scatter [tilespmem:s0], [sflag:$0x2], $0x10000, $0x38;
	[tilespmem:$0x10080] =	vst v63  }
0x71: {  	_ =	swait.ge [sflag:s9], $0x10000  }
0x72: {  	[sflag:s9] =	ssyncset.done $0x0  }
0x73: {  	[sflag:s9] =	ssyncadd.s32 $0xFFFF0000  }
0x74: {  	v3 =	vld [tilespmem:$0x40];
	_ =	sdelay $0x4  }
0x75: {  	v60 =	vshll.u32 v3, $0x3  }
0x76: {  	v3 =	vand.u32 $0x7, v3;
	v4 =	vand.u32 $0xFFFFFFC0, v60  }
0x77: {  	v3 =	vor.u32 v3, v4  }
0x78: {  	v4 =	vperm.xlane v3, v0;
	_ =	sdelay $0x1  }
0x79: {  	v4 =	vadd.s32 v1, v4;
	_ =	sdelay $0x4  }
0x7a: {  	[tilespmem:s0], [sflag:$0x1] =	stream.indirect_vreg.gather [hbm4b:s3+s2], $0x80, v4, vm0, $0xb8;
	[tilespmem:$0x10080] =	vst v63  }
0x7b: {  	v3 =	vperm.xlane v3, v2  }
0x7c: {  	[tilespmem:s21], [sflag:$0x1] =	stream.indirect_vreg.gather [hbm4b:s4+s2], $0x80, v4, vm0, $0xb8;
	[tilespmem:$0x10080] =	vst v63  }
0x7d: {  	v3 =	vadd.s32 v1, v3  }
0x7e: {  	[tilespmem:s22], [sflag:$0x1] =	stream.indirect_vreg.gather [hbm4b:s6+s2], $0x80, v4, vm0, $0xb8;
	[tilespmem:$0x10080] =	vst v63  }
0x7f: {  	_ = 	snop  }
0x80: {  	[tilespmem:s23], [sflag:$0x1] =	stream.indirect_vreg.gather [hbm4b:s7+s2], $0x80, v4, vm0, $0xb8;
	[tilespmem:$0x10080] =	vst v63  }
0x81: {  	_ = 	snop  }
0x82: {  	[tilespmem:s24], [sflag:$0x1] =	stream.indirect_vreg.gather [hbm4b:s3+s2], $0x80, v3, vm0, $0xb8;
	[tilespmem:$0x10080] =	vst v63  }
0x83: {  	_ = 	snop  }
0x84: {  	[tilespmem:s25], [sflag:$0x1] =	stream.indirect_vreg.gather [hbm4b:s4+s2], $0x80, v3, vm0, $0xb8;
	[tilespmem:$0x10080] =	vst v63  }
0x85: {  	_ = 	snop  }
0x86: {  	[tilespmem:s26], [sflag:$0x1] =	stream.indirect_vreg.gather [hbm4b:s6+s2], $0x80, v3, vm0, $0xb8;
	[tilespmem:$0x10080] =	vst v63  }
0x87: {  	_ = 	snop  }
0x88: {  	[tilespmem:s28], [sflag:$0x1] =	stream.indirect_vreg.gather [hbm4b:s7+s2], $0x80, v3, vm0, $0xb8;
	[tilespmem:$0x10080] =	vst v63  }
0x89: {  	v3 =	vld [tilespmem:$0x50];
	_ =	sdelay $0x4  }
0x8a: {  	v61 =	vshll.u32 v3, $0x3  }
0x8b: {  	v3 =	vand.u32 $0x7, v3;
	v4 =	vand.u32 $0xFFFFFFC0, v61  }
0x8c: {  	v3 =	vor.u32 v3, v4  }
0x8d: {  	v4 =	vperm.xlane v3, v0;
	_ =	sdelay $0x1  }
0x8e: {  	v4 =	vadd.s32 v1, v4;
	_ =	sdelay $0x4  }
0x8f: {  	[tilespmem:s29], [sflag:$0x1] =	stream.indirect_vreg.gather [hbm4b:s3+s2], $0x80, v4, vm0, $0xb8;
	[tilespmem:$0x10080] =	vst v63  }
0x90: {  	v3 =	vperm.xlane v3, v2  }
0x91: {  	[tilespmem:s30], [sflag:$0x1] =	stream.indirect_vreg.gather [hbm4b:s4+s2], $0x80, v4, vm0, $0xb8;
	[tilespmem:$0x10080] =	vst v63  }
0x92: {  	v3 =	vadd.s32 v1, v3  }
0x93: {  	[tilespmem:s31], [sflag:$0x1] =	stream.indirect_vreg.gather [hbm4b:s6+s2], $0x80, v4, vm0, $0xb8;
	[tilespmem:$0x10080] =	vst v63  }
0x94: {  	s20 =	simm.s32 $0x5880  }
0x95: {  	[tilespmem:s20], [sflag:$0x1] =	stream.indirect_vreg.gather [hbm4b:s7+s2], $0x80, v4, vm0, $0xb8;
	[tilespmem:$0x10080] =	vst v63  }
0x96: {  	_ = 	snop  }
0x97: {  	[tilespmem:s1], [sflag:$0x1] =	stream.indirect_vreg.gather [hbm4b:s3+s2], $0x80, v3, vm0, $0xb8;
	[tilespmem:$0x10080] =	vst v63  }
0x98: {  	_ = 	snop  }
0x99: {  	[tilespmem:s11], [sflag:$0x1] =	stream.indirect_vreg.gather [hbm4b:s4+s2], $0x80, v3, vm0, $0xb8;
	[tilespmem:$0x10080] =	vst v63  }
0x9a: {  	_ = 	snop  }
0x9b: {  	[tilespmem:s12], [sflag:$0x1] =	stream.indirect_vreg.gather [hbm4b:s6+s2], $0x80, v3, vm0, $0xb8;
	[tilespmem:$0x10080] =	vst v63  }
0x9c: {  	_ = 	snop  }
0x9d: {  	[tilespmem:s13], [sflag:$0x1] =	stream.indirect_vreg.gather [hbm4b:s7+s2], $0x80, v3, vm0, $0xb8;
	[tilespmem:$0x10080] =	vst v63  }
0x9e: {  	v3 =	vld [tilespmem:$0x60];
	_ =	sdelay $0x4  }
0x9f: {  	v62 =	vshll.u32 v3, $0x3  }
0xa0: {  	v3 =	vand.u32 $0x7, v3;
	v4 =	vand.u32 $0xFFFFFFC0, v62  }
0xa1: {  	v3 =	vor.u32 v3, v4  }
0xa2: {  	v4 =	vperm.xlane v3, v0;
	_ =	sdelay $0x1  }
0xa3: {  	v4 =	vadd.s32 v1, v4;
	_ =	sdelay $0x4  }
0xa4: {  	[tilespmem:s5], [sflag:$0x1] =	stream.indirect_vreg.gather [hbm4b:s3+s2], $0x80, v4, vm0, $0xb8;
	[tilespmem:$0x10080] =	vst v63  }
0xa5: {  	v3 =	vperm.xlane v3, v2  }
0xa6: {  	[tilespmem:s14], [sflag:$0x1] =	stream.indirect_vreg.gather [hbm4b:s4+s2], $0x80, v4, vm0, $0xb8;
	[tilespmem:$0x10080] =	vst v63  }
0xa7: {  	v3 =	vadd.s32 v1, v3  }
0xa8: {  	[tilespmem:s15], [sflag:$0x1] =	stream.indirect_vreg.gather [hbm4b:s6+s2], $0x80, v4, vm0, $0xb8;
	[tilespmem:$0x10080] =	vst v63  }
0xa9: {  	_ = 	snop  }
0xaa: {  	[tilespmem:s16], [sflag:$0x1] =	stream.indirect_vreg.gather [hbm4b:s7+s2], $0x80, v4, vm0, $0xb8;
	[tilespmem:$0x10080] =	vst v63  }
0xab: {  	_ = 	snop  }
0xac: {  	[tilespmem:s17], [sflag:$0x1] =	stream.indirect_vreg.gather [hbm4b:s3+s2], $0x80, v3, vm0, $0xb8;
	[tilespmem:$0x10080] =	vst v63  }
0xad: {  	_ = 	snop  }
0xae: {  	[tilespmem:s18], [sflag:$0x1] =	stream.indirect_vreg.gather [hbm4b:s4+s2], $0x80, v3, vm0, $0xb8;
	[tilespmem:$0x10080] =	vst v63  }
0xaf: {  	_ = 	snop  }
0xb0: {  	[tilespmem:s10], [sflag:$0x1] =	stream.indirect_vreg.gather [hbm4b:s6+s2], $0x80, v3, vm0, $0xb8;
	[tilespmem:$0x10080] =	vst v63  }
0xb1: {  	s20 =	simm.s32 $0xB880  }
0xb2: {  	[tilespmem:s20], [sflag:$0x1] =	stream.indirect_vreg.gather [hbm4b:s7+s2], $0x80, v3, vm0, $0xb8;
	[tilespmem:$0x10080] =	vst v63  }
0xb3: {  	v3 =	vld [tilespmem:$0x70];
	_ =	sdelay $0x4  }
0xb4: {  	v63 =	vshll.u32 v3, $0x3  }
0xb5: {  	v3 =	vand.u32 $0x7, v3;
	v4 =	vand.u32 $0xFFFFFFC0, v63  }
0xb6: {  	v3 =	vor.u32 v3, v4  }
0xb7: {  	v4 =	vperm.xlane v3, v0;
	_ =	sdelay $0x1  }
0xb8: {  	v4 =	vadd.s32 v1, v4;
	_ =	sdelay $0x3  }
0xb9: {  	s20 =	simm.s32 $0xC080  }
0xba: {  	[tilespmem:s20], [sflag:$0x1] =	stream.indirect_vreg.gather [hbm4b:s3+s2], $0x80, v4, vm0, $0xb8;
	[tilespmem:$0x10080] =	vst v63  }
0xbb: {  	v3 =	vperm.xlane v3, v2;
	s20 =	simm.s32 $0xC880  }
0xbc: {  	[tilespmem:s20], [sflag:$0x1] =	stream.indirect_vreg.gather [hbm4b:s4+s2], $0x80, v4, vm0, $0xb8;
	[tilespmem:$0x10080] =	vst v63  }
0xbd: {  	v3 =	vadd.s32 v1, v3;
	s20 =	simm.s32 $0xD080  }
0xbe: {  	[tilespmem:s20], [sflag:$0x1] =	stream.indirect_vreg.gather [hbm4b:s6+s2], $0x80, v4, vm0, $0xb8;
	[tilespmem:$0x10080] =	vst v63  }
0xbf: {  	s20 =	simm.s32 $0xD880  }
0xc0: {  	[tilespmem:s20], [sflag:$0x1] =	stream.indirect_vreg.gather [hbm4b:s7+s2], $0x80, v4, vm0, $0xb8;
	[tilespmem:$0x10080] =	vst v63  }
0xc1: {  	s20 =	simm.s32 $0xE080  }
0xc2: {  	[tilespmem:s20], [sflag:$0x1] =	stream.indirect_vreg.gather [hbm4b:s3+s2], $0x80, v3, vm0, $0xb8;
	[tilespmem:$0x10080] =	vst v63  }
0xc3: {  	s20 =	simm.s32 $0xE880  }
0xc4: {  	[tilespmem:s20], [sflag:$0x1] =	stream.indirect_vreg.gather [hbm4b:s4+s2], $0x80, v3, vm0, $0xb8;
	[tilespmem:$0x10080] =	vst v63  }
0xc5: {  	s20 =	simm.s32 $0xF080  }
0xc6: {  	[tilespmem:s20], [sflag:$0x1] =	stream.indirect_vreg.gather [hbm4b:s6+s2], $0x80, v3, vm0, $0xb8;
	[tilespmem:$0x10080] =	vst v63  }
0xc7: {  	s20 =	simm.s32 $0xF880  }
0xc8: {  	[tilespmem:s20], [sflag:$0x1] =	stream.indirect_vreg.gather [hbm4b:s7+s2], $0x80, v3, vm0, $0xb8;
	[tilespmem:$0x10080] =	vst v63  }
0xc9: {  	_ =	swait.ge [sflag:s19], $0x10000  }
0xca: {  	p0 =	sne.s32 s8, $0x1;
	[sflag:s19] =	ssyncset.done $0x0  }
.Ltmp0:
0xcb: {  	s1 =	rddreg [dreg:$0x4];
	[sflag:s19] =	ssyncadd.s32 $0xFFFF0000;
	(pc) =	sbr.rel @p0 .LBB2_1-.Ltmp0, $4  }
0xcc: {  	[hbm4b:s1+s2] =	stream.linear.scatter [tilespmem:s0], [sflag:$0x2], $0x10000, $0x38;
	[tilespmem:$0x10080] =	vst v63  }
0xcd: {  	_ =	swait.ge [sflag:s9], $0x10000  }
0xce: {  	[sflag:s9] =	ssyncset.done $0x0  }
0xcf: {  	s8 =	sadd.s32 $0xFFFFFFFF, s8;
	[sflag:s9] =	ssyncadd.s32 $0xFFFF0000  }
0xd0: {  	_ =	sfence.sel $0x180000  }
0xd1: {  	[bflag:$0x0] =	sbarrier.arrive $0xFFFF  }
0xd2: {  	_ =	strace $0x9000004A  }
0xd3: {  	s0 =	stileid.u32;
	[bflag:$0x2] =	sbarrier.arrive $0xFFFF  }
0xd4: {  	p0 =	sne.s32 s0, $0x0;
	s0 =	rddreg [dreg:$0x2]  }
0xd5: {  	s0 =	sadd.s32 @!p0 $0x100000, s0  }
0xd6: {  	[sflag:s0] =	ssyncadd.tile.s32 @!p0 $0x1;
	_ =	shalt  }
.Lfunc_end2:
_tile_overlayer_lowered:
.L_overlay_start_2:
0xd7: {  	(tag) =	ssettag $0x2  }
0xd8: {  	s0 =	rddreg [dreg:$0x0];
	s2 =	stileid.u32  }
0xd9: {  	s1 =	rddreg [dreg:$0x1];
	p0 =	sne.s32 s2, $0x0  }
0xda: {  	s3 =	rddreg [dreg:$0x2];
	[bflag:$0x3] =	sbarrier.arrive $0xFFFF;
	s2 =	simm.s32 @!p0 $0x1C02  }
0xdb: {  	[timem:s3], [sflag:s2] =	dma.local @!p0 [hbm:s0], s1  }
0xdc: {  	s0 =	simm.s32 @!p0 $0x2  }
0xdd: {  	_ =	swait.ge @!p0 [sflag:s0], s1  }
0xde: {  	s1 =	ssub.s32 @!p0 $0x0, s1;
	[sflag:s0] =	ssyncset.done @!p0 $0x0  }
0xdf: {  	[sflag:s0] =	ssyncadd.s32 @!p0 s1  }
0xe0: {  	[bflag:$0x3] =	sbarrier.arrive $0xFFFF  }
0xe1: {  	_ =	shalt  }

</sc_bundles>
